<compile_context>
chip_gen: v7x
topology: tpu7x:2x2x1
jax: 0.10.2.dev20260603
libtpu: 0.0.44.dev20260713+nightly
codegen_flags: <defaults>
</compile_context>

<pallas_src>
import functools

import jax
import jax.numpy as jnp
from jax import lax
from jax.experimental import pallas as pl
from jax.experimental.pallas import tpu as pltpu
from jax.experimental.pallas import tpu_sc as plsc

D_MODEL = 128
NUM_CORES = 2
NUM_SUBCORES = 16
NUM_WORKERS = NUM_CORES * NUM_SUBCORES

CHUNK = 128
NBUF = 5
LOOK = 2


@functools.partial(jax.jit, static_argnames=("b_total",))
def _embed(x_flat, table, b_total):
    b_per_w = b_total // NUM_WORKERS
    n_chunks = b_per_w // CHUNK
    n_outer = n_chunks // NBUF

    mesh = plsc.VectorSubcoreMesh(
        core_axis_name="c", subcore_axis_name="s",
        num_cores=NUM_CORES, num_subcores=NUM_SUBCORES)

    @functools.partial(
        pl.kernel,
        mesh=mesh,
        out_type=jax.ShapeDtypeStruct((b_total, D_MODEL), jnp.float32),
        scratch_types=[
            pltpu.VMEM((b_per_w,), jnp.int32),
            pltpu.VMEM((NBUF, CHUNK, D_MODEL), jnp.float32),
            pltpu.SemaphoreType.DMA,
            pltpu.SemaphoreType.DMA,
        ],
    )
    def emb(idx_hbm, table_hbm, out_hbm, idx_v, rows_v, gsem, wsem):
        wid = lax.axis_index("s") * NUM_CORES + lax.axis_index("c")
        base = wid * b_per_w
        pltpu.sync_copy(idx_hbm.at[pl.ds(base, b_per_w)], idx_v)

        def start_gather(g, slot):
            pltpu.async_copy(
                table_hbm.at[idx_v.at[pl.ds(g * CHUNK, CHUNK)]],
                rows_v.at[slot], gsem)

        def wait_gather(slot):
            pltpu.make_async_copy(
                table_hbm.at[pl.ds(0, CHUNK)], rows_v.at[slot], gsem).wait()

        def wait_write(slot):
            pltpu.make_async_copy(
                rows_v.at[slot], out_hbm.at[pl.ds(base, CHUNK)], wsem).wait()

        for b in range(LOOK):
            start_gather(b, b)

        def outer(o, carry):
            for b in range(NBUF):
                g = o * NBUF + b
                gl = g + LOOK
                sl = (b + LOOK) % NBUF

                @pl.when(jnp.logical_and(gl < n_chunks, gl >= NBUF))
                def _():
                    wait_write(sl)

                @pl.when(gl < n_chunks)
                def _():
                    start_gather(gl, sl)

                wait_gather(b)
                pltpu.async_copy(
                    rows_v.at[b],
                    out_hbm.at[pl.ds(base + g * CHUNK, CHUNK)], wsem)
            return carry

        lax.fori_loop(0, n_outer, outer, 0)

        for b in range(NBUF):
            wait_write(b)

    return emb(x_flat, table)


def kernel(x, table):
    b, s = x.shape
    x_flat = x.reshape(b * s).astype(jnp.int32)
    out = _embed(x_flat, table, b * s)
    return out.reshape(b, s, D_MODEL)

# --- scband reference (transcript-rebuilt; emitter-appended) ---
"""Pipeline reference for scband-token-embedding-67010079752735 (READ-ONLY COPY).

The authoritative reference and input builder live on the scoring server;
editing this copy changes nothing except your own understanding.
"""

import jax, jax.numpy as jnp
import numpy as np

VOCAB_SIZE = 100000
D_MODEL = 128
PADDING_IDX = 0

def setup_inputs(seed: int = 0) -> dict:
    key = jax.random.key(seed)
    k_idx, k_tab = jax.random.split(key)
    x = jax.random.randint(k_idx, (1024, 200), 0, VOCAB_SIZE, dtype=jnp.int64 if jax.config.jax_enable_x64 else jnp.int32)
    table = jax.random.normal(k_tab, (VOCAB_SIZE, D_MODEL), dtype=jnp.float32)
    # nn.Embedding with padding_idx zero-initializes the padding row
    table = table.at[PADDING_IDX].set(0.0)
    return {"x": x, "table": table}

def reference(x, table):
    # Faithful translation of nn.Embedding forward: pure row gather.
    return jnp.take(table, x, axis=0)

if __name__ == "__main__":
    import jax
    _d = setup_inputs()
    print(jax.jit(kernel)(*tuple(_d.values())))

</pallas_src>

<mosaic_0001>
#map = affine_map<(d0, d1) -> (0)>
#map1 = affine_map<(d0, d1) -> (0, 0)>
module attributes {stable_mosaic.version = 14 : i64} {
  func.func @emb(%arg0: i32, %arg1: i32, %arg2: memref<204800xi32, #tpu.memory_space<hbm>>, %arg3: memref<100000x128xf32, #tpu.memory_space<hbm>>, %arg4: memref<204800x128xf32, #tpu.memory_space<hbm>>, %arg5: memref<6400xi32, #tpu.memory_space<vmem>>, %arg6: memref<5x128x128xf32, #tpu.memory_space<vmem>>, %arg7: memref<!tpu.dma_semaphore, #tpu.memory_space<semaphore_mem>>, %arg8: memref<!tpu.dma_semaphore, #tpu.memory_space<semaphore_mem>>) attributes {dimension_semantics = [#tpu.dimension_semantics<core_parallel>, #tpu.dimension_semantics<subcore_parallel>], iteration_bounds = array<i64: 2, 16>, scalar_prefetch = 0 : i64, scratch_operands = 4 : i64, tpu.core_type = #tpu.core_type<sc_vector_subcore>, window_params = [{transform_indices = #map}, {transform_indices = #map1}, {transform_indices = #map1}]} {
    %mul3A = arith.constant 2 : i32
    %mul3A_0 = arith.muli %arg1, %mul3A : i32
    %add3A = arith.addi %mul3A_0, %arg0 : i32
    %mul3A_1 = arith.constant 6400 : i32
    %mul3A_2 = arith.muli %add3A, %mul3A_1 : i32
    "tpu.region"() ({
      %run_scoped3A = tpu.sem_alloc : memref<!tpu.dma_semaphore, #tpu.memory_space<semaphore_mem>>
      %dma_start3A_91 = tpu.memref_slice %arg2[%mul3A_2] : memref<204800xi32, #tpu.memory_space<hbm>> -> memref<6400xi32, #tpu.memory_space<hbm>>
      %dma_start3A_92 = tpu.memref_slice %arg2[%mul3A_2] : memref<204800xi32, #tpu.memory_space<hbm>> -> memref<6400xi32, #tpu.memory_space<hbm>>
      tpu.enqueue_dma source(%dma_start3A_92 : memref<6400xi32, #tpu.memory_space<hbm>>) target(%arg5 : memref<6400xi32, #tpu.memory_space<vmem>>) target_semaphore(%run_scoped3A : memref<!tpu.dma_semaphore, #tpu.memory_space<semaphore_mem>>)
      %dma_wait3A_93 = tpu.memref_slice %arg2[%mul3A_2] : memref<204800xi32, #tpu.memory_space<hbm>> -> memref<6400xi32, #tpu.memory_space<hbm>>
      %dma_wait3A_94 = tpu.memref_slice %arg2[%mul3A_2] : memref<204800xi32, #tpu.memory_space<hbm>> -> memref<6400xi32, #tpu.memory_space<hbm>>
      tpu.wait_dma2 semaphore(%run_scoped3A : memref<!tpu.dma_semaphore, #tpu.memory_space<semaphore_mem>>) src(%dma_wait3A_94 : memref<6400xi32, #tpu.memory_space<hbm>>) dst(%arg5 : memref<6400xi32, #tpu.memory_space<vmem>>)
      tpu.yield
    }) : () -> ()
    %dma_start3A = arith.constant 0 : i32
    %dma_start3A_3 = arith.constant 0 : i32
    %dma_start3A_4 = arith.constant 0 : i32
    %dma_start3A_5 = tpu.memref_slice %arg6[%dma_start3A, %dma_start3A_3, %dma_start3A_4] : memref<5x128x128xf32, #tpu.memory_space<vmem>> -> memref<1x128x128xf32, #tpu.memory_space<vmem>>
    %dma_start3A_6 = tpu.memref_squeeze %dma_start3A_5 : memref<1x128x128xf32, #tpu.memory_space<vmem>> -> memref<128x128xf32, #tpu.memory_space<vmem>>
    %dma_start3A_7 = arith.constant 0 : i32
    %dma_start3A_8 = tpu.memref_slice %arg5[%dma_start3A_7] : memref<6400xi32, #tpu.memory_space<vmem>> -> memref<128xi32, #tpu.memory_space<vmem>>
    %dma_start3A_9 = arith.constant 0 : i32
    %dma_start3A_10 = arith.constant 0 : i32
    %dma_start3A_11 = tpu.memref_slice %arg3[%dma_start3A_9, %dma_start3A_10] : memref<100000x128xf32, #tpu.memory_space<hbm>> -> memref<100000x128xf32, #tpu.memory_space<hbm>>
    tpu.enqueue_indirect_dma source(%dma_start3A_11 : memref<100000x128xf32, #tpu.memory_space<hbm>>) target(%dma_start3A_6 : memref<128x128xf32, #tpu.memory_space<vmem>>) offsets(%dma_start3A_8 : memref<128xi32, #tpu.memory_space<vmem>>) semaphore(%arg7 : memref<!tpu.dma_semaphore, #tpu.memory_space<semaphore_mem>>)
    %dma_start3A_12 = arith.constant 1 : i32
    %dma_start3A_13 = arith.constant 0 : i32
    %dma_start3A_14 = arith.constant 0 : i32
    %dma_start3A_15 = tpu.memref_slice %arg6[%dma_start3A_12, %dma_start3A_13, %dma_start3A_14] : memref<5x128x128xf32, #tpu.memory_space<vmem>> -> memref<1x128x128xf32, #tpu.memory_space<vmem>>
    %dma_start3A_16 = tpu.memref_squeeze %dma_start3A_15 : memref<1x128x128xf32, #tpu.memory_space<vmem>> -> memref<128x128xf32, #tpu.memory_space<vmem>>
    %dma_start3A_17 = arith.constant 128 : i32
    %dma_start3A_18 = tpu.memref_slice %arg5[%dma_start3A_17] : memref<6400xi32, #tpu.memory_space<vmem>> -> memref<128xi32, #tpu.memory_space<vmem>>
    %dma_start3A_19 = arith.constant 0 : i32
    %dma_start3A_20 = arith.constant 0 : i32
    %dma_start3A_21 = tpu.memref_slice %arg3[%dma_start3A_19, %dma_start3A_20] : memref<100000x128xf32, #tpu.memory_space<hbm>> -> memref<100000x128xf32, #tpu.memory_space<hbm>>
    tpu.enqueue_indirect_dma source(%dma_start3A_21 : memref<100000x128xf32, #tpu.memory_space<hbm>>) target(%dma_start3A_16 : memref<128x128xf32, #tpu.memory_space<vmem>>) offsets(%dma_start3A_18 : memref<128xi32, #tpu.memory_space<vmem>>) semaphore(%arg7 : memref<!tpu.dma_semaphore, #tpu.memory_space<semaphore_mem>>)
    %scan3A = arith.constant 0 : i32
    %scan3A_22 = arith.constant 0 : i32
    %scan3A_23 = arith.constant 10 : i32
    %scan3A_24 = arith.addi %scan3A_22, %scan3A_23 : i32
    %scan3A_25 = arith.constant 1 : i32
    scf.for %scan3A_91 = %scan3A_22 to %scan3A_24 step %scan3A_25  : i32 {
      %mul3A_92 = arith.constant 5 : i32
      %mul3A_93 = arith.muli %scan3A_91, %mul3A_92 : i32
      %add3A_94 = arith.constant 0 : i32
      %add3A_95 = arith.addi %mul3A_93, %add3A_94 : i32
      %add3A_96 = arith.constant 2 : i32
      %add3A_97 = arith.addi %add3A_95, %add3A_96 : i32
      %lt3A = arith.constant 50 : i32
      %lt3A_98 = arith.cmpi slt, %add3A_97, %lt3A : i32
      %ge3A = arith.constant 5 : i32
      %ge3A_99 = arith.cmpi sge, %add3A_97, %ge3A : i32
      %and3A = arith.andi %lt3A_98, %ge3A_99 : i1
      %convert_element_type3A = arith.extui %and3A : i1 to i32
      %cond3A = arith.constant 0 : i32
      %cond3A_100 = arith.cmpi ne, %convert_element_type3A, %cond3A : i32
      scf.if %cond3A_100 {
        %dma_wait3A_337 = arith.constant 2 : i32
        %dma_wait3A_338 = arith.constant 0 : i32
        %dma_wait3A_339 = arith.constant 0 : i32
        %dma_wait3A_340 = tpu.memref_slice %arg6[%dma_wait3A_337, %dma_wait3A_338, %dma_wait3A_339] : memref<5x128x128xf32, #tpu.memory_space<vmem>> -> memref<1x128x128xf32, #tpu.memory_space<vmem>>
        %dma_wait3A_341 = tpu.memref_squeeze %dma_wait3A_340 : memref<1x128x128xf32, #tpu.memory_space<vmem>> -> memref<128x128xf32, #tpu.memory_space<vmem>>
        %dma_wait3A_342 = arith.constant 0 : i32
        %dma_wait3A_343 = tpu.memref_slice %arg4[%mul3A_2, %dma_wait3A_342] : memref<204800x128xf32, #tpu.memory_space<hbm>> -> memref<128x128xf32, #tpu.memory_space<hbm>>
        %dma_wait3A_344 = arith.constant 0 : i32
        %dma_wait3A_345 = tpu.memref_slice %arg4[%mul3A_2, %dma_wait3A_344] : memref<204800x128xf32, #tpu.memory_space<hbm>> -> memref<128x128xf32, #tpu.memory_space<hbm>>
        %dma_wait3A_346 = arith.constant 0 : i32
        %dma_wait3A_347 = arith.constant 0 : i32
        %dma_wait3A_348 = tpu.memref_slice %arg6[%dma_wait3A_337, %dma_wait3A_346, %dma_wait3A_347] : memref<5x128x128xf32, #tpu.memory_space<vmem>> -> memref<1x128x128xf32, #tpu.memory_space<vmem>>
        %dma_wait3A_349 = tpu.memref_squeeze %dma_wait3A_348 : memref<1x128x128xf32, #tpu.memory_space<vmem>> -> memref<128x128xf32, #tpu.memory_space<vmem>>
        tpu.wait_dma2 semaphore(%arg8 : memref<!tpu.dma_semaphore, #tpu.memory_space<semaphore_mem>>) src(%dma_wait3A_349 : memref<128x128xf32, #tpu.memory_space<vmem>>) dst(%dma_wait3A_345 : memref<128x128xf32, #tpu.memory_space<hbm>>)
      } else {
      }
      %lt3A_101 = arith.constant 50 : i32
      %lt3A_102 = arith.cmpi slt, %add3A_97, %lt3A_101 : i32
      %convert_element_type3A_103 = arith.extui %lt3A_102 : i1 to i32
      %cond3A_104 = arith.constant 0 : i32
      %cond3A_105 = arith.cmpi ne, %convert_element_type3A_103, %cond3A_104 : i32
      scf.if %cond3A_105 {
        %mul3A_337 = arith.constant 128 : i32
        %mul3A_338 = arith.muli %add3A_97, %mul3A_337 : i32
        %dma_start3A_339 = arith.constant 2 : i32
        %dma_start3A_340 = arith.constant 0 : i32
        %dma_start3A_341 = arith.constant 0 : i32
        %dma_start3A_342 = tpu.memref_slice %arg6[%dma_start3A_339, %dma_start3A_340, %dma_start3A_341] : memref<5x128x128xf32, #tpu.memory_space<vmem>> -> memref<1x128x128xf32, #tpu.memory_space<vmem>>
        %dma_start3A_343 = tpu.memref_squeeze %dma_start3A_342 : memref<1x128x128xf32, #tpu.memory_space<vmem>> -> memref<128x128xf32, #tpu.memory_space<vmem>>
        %dma_start3A_344 = tpu.memref_slice %arg5[%mul3A_338] : memref<6400xi32, #tpu.memory_space<vmem>> -> memref<128xi32, #tpu.memory_space<vmem>>
        %dma_start3A_345 = arith.constant 0 : i32
        %dma_start3A_346 = arith.constant 0 : i32
        %dma_start3A_347 = tpu.memref_slice %arg3[%dma_start3A_345, %dma_start3A_346] : memref<100000x128xf32, #tpu.memory_space<hbm>> -> memref<100000x128xf32, #tpu.memory_space<hbm>>
        tpu.enqueue_indirect_dma source(%dma_start3A_347 : memref<100000x128xf32, #tpu.memory_space<hbm>>) target(%dma_start3A_343 : memref<128x128xf32, #tpu.memory_space<vmem>>) offsets(%dma_start3A_344 : memref<128xi32, #tpu.memory_space<vmem>>) semaphore(%arg7 : memref<!tpu.dma_semaphore, #tpu.memory_space<semaphore_mem>>)
      } else {
      }
      %dma_wait3A_106 = arith.constant 0 : i32
      %dma_wait3A_107 = arith.constant 0 : i32
      %dma_wait3A_108 = arith.constant 0 : i32
      %dma_wait3A_109 = tpu.memref_slice %arg6[%dma_wait3A_106, %dma_wait3A_107, %dma_wait3A_108] : memref<5x128x128xf32, #tpu.memory_space<vmem>> -> memref<1x128x128xf32, #tpu.memory_space<vmem>>
      %dma_wait3A_110 = tpu.memref_squeeze %dma_wait3A_109 : memref<1x128x128xf32, #tpu.memory_space<vmem>> -> memref<128x128xf32, #tpu.memory_space<vmem>>
      %dma_wait3A_111 = arith.constant 0 : i32
      %dma_wait3A_112 = arith.constant 0 : i32
      %dma_wait3A_113 = tpu.memref_slice %arg3[%dma_wait3A_111, %dma_wait3A_112] : memref<100000x128xf32, #tpu.memory_space<hbm>> -> memref<128x128xf32, #tpu.memory_space<hbm>>
      %dma_wait3A_114 = arith.constant 0 : i32
      %dma_wait3A_115 = arith.constant 0 : i32
      %dma_wait3A_116 = tpu.memref_slice %arg6[%dma_wait3A_106, %dma_wait3A_114, %dma_wait3A_115] : memref<5x128x128xf32, #tpu.memory_space<vmem>> -> memref<1x128x128xf32, #tpu.memory_space<vmem>>
      %dma_wait3A_117 = tpu.memref_squeeze %dma_wait3A_116 : memref<1x128x128xf32, #tpu.memory_space<vmem>> -> memref<128x128xf32, #tpu.memory_space<vmem>>
      %dma_wait3A_118 = arith.constant 0 : i32
      %dma_wait3A_119 = arith.constant 0 : i32
      %dma_wait3A_120 = tpu.memref_slice %arg3[%dma_wait3A_118, %dma_wait3A_119] : memref<100000x128xf32, #tpu.memory_space<hbm>> -> memref<128x128xf32, #tpu.memory_space<hbm>>
      tpu.wait_dma2 semaphore(%arg7 : memref<!tpu.dma_semaphore, #tpu.memory_space<semaphore_mem>>) src(%dma_wait3A_120 : memref<128x128xf32, #tpu.memory_space<hbm>>) dst(%dma_wait3A_117 : memref<128x128xf32, #tpu.memory_space<vmem>>)
      %mul3A_121 = arith.constant 128 : i32
      %mul3A_122 = arith.muli %add3A_95, %mul3A_121 : i32
      %add3A_123 = arith.addi %mul3A_2, %mul3A_122 : i32
      %dma_start3A_124 = arith.constant 0 : i32
      %dma_start3A_125 = arith.constant 0 : i32
      %dma_start3A_126 = arith.constant 0 : i32
      %dma_start3A_127 = tpu.memref_slice %arg6[%dma_start3A_124, %dma_start3A_125, %dma_start3A_126] : memref<5x128x128xf32, #tpu.memory_space<vmem>> -> memref<1x128x128xf32, #tpu.memory_space<vmem>>
      %dma_start3A_128 = tpu.memref_squeeze %dma_start3A_127 : memref<1x128x128xf32, #tpu.memory_space<vmem>> -> memref<128x128xf32, #tpu.memory_space<vmem>>
      %dma_start3A_129 = arith.constant 0 : i32
      %dma_start3A_130 = tpu.memref_slice %arg4[%add3A_123, %dma_start3A_129] : memref<204800x128xf32, #tpu.memory_space<hbm>> -> memref<128x128xf32, #tpu.memory_space<hbm>>
      %dma_start3A_131 = arith.constant 0 : i32
      %dma_start3A_132 = tpu.memref_slice %arg4[%add3A_123, %dma_start3A_131] : memref<204800x128xf32, #tpu.memory_space<hbm>> -> memref<128x128xf32, #tpu.memory_space<hbm>>
      %dma_start3A_133 = arith.constant 0 : i32
      %dma_start3A_134 = arith.constant 0 : i32
      %dma_start3A_135 = tpu.memref_slice %arg6[%dma_start3A_124, %dma_start3A_133, %dma_start3A_134] : memref<5x128x128xf32, #tpu.memory_space<vmem>> -> memref<1x128x128xf32, #tpu.memory_space<vmem>>
      %dma_start3A_136 = tpu.memref_squeeze %dma_start3A_135 : memref<1x128x128xf32, #tpu.memory_space<vmem>> -> memref<128x128xf32, #tpu.memory_space<vmem>>
      tpu.enqueue_dma source(%dma_start3A_136 : memref<128x128xf32, #tpu.memory_space<vmem>>) target(%dma_start3A_132 : memref<128x128xf32, #tpu.memory_space<hbm>>) target_semaphore(%arg8 : memref<!tpu.dma_semaphore, #tpu.memory_space<semaphore_mem>>)
      %mul3A_137 = arith.constant 5 : i32
      %mul3A_138 = arith.muli %scan3A_91, %mul3A_137 : i32
      %add3A_139 = arith.constant 1 : i32
      %add3A_140 = arith.addi %mul3A_138, %add3A_139 : i32
      %add3A_141 = arith.constant 2 : i32
      %add3A_142 = arith.addi %add3A_140, %add3A_141 : i32
      %lt3A_143 = arith.constant 50 : i32
      %lt3A_144 = arith.cmpi slt, %add3A_142, %lt3A_143 : i32
      %ge3A_145 = arith.constant 5 : i32
      %ge3A_146 = arith.cmpi sge, %add3A_142, %ge3A_145 : i32
      %and3A_147 = arith.andi %lt3A_144, %ge3A_146 : i1
      %convert_element_type3A_148 = arith.extui %and3A_147 : i1 to i32
      %cond3A_149 = arith.constant 0 : i32
      %cond3A_150 = arith.cmpi ne, %convert_element_type3A_148, %cond3A_149 : i32
      scf.if %cond3A_150 {
        %dma_wait3A_337 = arith.constant 3 : i32
        %dma_wait3A_338 = arith.constant 0 : i32
        %dma_wait3A_339 = arith.constant 0 : i32
        %dma_wait3A_340 = tpu.memref_slice %arg6[%dma_wait3A_337, %dma_wait3A_338, %dma_wait3A_339] : memref<5x128x128xf32, #tpu.memory_space<vmem>> -> memref<1x128x128xf32, #tpu.memory_space<vmem>>
        %dma_wait3A_341 = tpu.memref_squeeze %dma_wait3A_340 : memref<1x128x128xf32, #tpu.memory_space<vmem>> -> memref<128x128xf32, #tpu.memory_space<vmem>>
        %dma_wait3A_342 = arith.constant 0 : i32
        %dma_wait3A_343 = tpu.memref_slice %arg4[%mul3A_2, %dma_wait3A_342] : memref<204800x128xf32, #tpu.memory_space<hbm>> -> memref<128x128xf32, #tpu.memory_space<hbm>>
        %dma_wait3A_344 = arith.constant 0 : i32
        %dma_wait3A_345 = tpu.memref_slice %arg4[%mul3A_2, %dma_wait3A_344] : memref<204800x128xf32, #tpu.memory_space<hbm>> -> memref<128x128xf32, #tpu.memory_space<hbm>>
        %dma_wait3A_346 = arith.constant 0 : i32
        %dma_wait3A_347 = arith.constant 0 : i32
        %dma_wait3A_348 = tpu.memref_slice %arg6[%dma_wait3A_337, %dma_wait3A_346, %dma_wait3A_347] : memref<5x128x128xf32, #tpu.memory_space<vmem>> -> memref<1x128x128xf32, #tpu.memory_space<vmem>>
        %dma_wait3A_349 = tpu.memref_squeeze %dma_wait3A_348 : memref<1x128x128xf32, #tpu.memory_space<vmem>> -> memref<128x128xf32, #tpu.memory_space<vmem>>
        tpu.wait_dma2 semaphore(%arg8 : memref<!tpu.dma_semaphore, #tpu.memory_space<semaphore_mem>>) src(%dma_wait3A_349 : memref<128x128xf32, #tpu.memory_space<vmem>>) dst(%dma_wait3A_345 : memref<128x128xf32, #tpu.memory_space<hbm>>)
      } else {
      }
      %lt3A_151 = arith.constant 50 : i32
      %lt3A_152 = arith.cmpi slt, %add3A_142, %lt3A_151 : i32
      %convert_element_type3A_153 = arith.extui %lt3A_152 : i1 to i32
      %cond3A_154 = arith.constant 0 : i32
      %cond3A_155 = arith.cmpi ne, %convert_element_type3A_153, %cond3A_154 : i32
      scf.if %cond3A_155 {
        %mul3A_337 = arith.constant 128 : i32
        %mul3A_338 = arith.muli %add3A_142, %mul3A_337 : i32
        %dma_start3A_339 = arith.constant 3 : i32
        %dma_start3A_340 = arith.constant 0 : i32
        %dma_start3A_341 = arith.constant 0 : i32
        %dma_start3A_342 = tpu.memref_slice %arg6[%dma_start3A_339, %dma_start3A_340, %dma_start3A_341] : memref<5x128x128xf32, #tpu.memory_space<vmem>> -> memref<1x128x128xf32, #tpu.memory_space<vmem>>
        %dma_start3A_343 = tpu.memref_squeeze %dma_start3A_342 : memref<1x128x128xf32, #tpu.memory_space<vmem>> -> memref<128x128xf32, #tpu.memory_space<vmem>>
        %dma_start3A_344 = tpu.memref_slice %arg5[%mul3A_338] : memref<6400xi32, #tpu.memory_space<vmem>> -> memref<128xi32, #tpu.memory_space<vmem>>
        %dma_start3A_345 = arith.constant 0 : i32
        %dma_start3A_346 = arith.constant 0 : i32
        %dma_start3A_347 = tpu.memref_slice %arg3[%dma_start3A_345, %dma_start3A_346] : memref<100000x128xf32, #tpu.memory_space<hbm>> -> memref<100000x128xf32, #tpu.memory_space<hbm>>
        tpu.enqueue_indirect_dma source(%dma_start3A_347 : memref<100000x128xf32, #tpu.memory_space<hbm>>) target(%dma_start3A_343 : memref<128x128xf32, #tpu.memory_space<vmem>>) offsets(%dma_start3A_344 : memref<128xi32, #tpu.memory_space<vmem>>) semaphore(%arg7 : memref<!tpu.dma_semaphore, #tpu.memory_space<semaphore_mem>>)
      } else {
      }
      %dma_wait3A_156 = arith.constant 1 : i32
      %dma_wait3A_157 = arith.constant 0 : i32
      %dma_wait3A_158 = arith.constant 0 : i32
      %dma_wait3A_159 = tpu.memref_slice %arg6[%dma_wait3A_156, %dma_wait3A_157, %dma_wait3A_158] : memref<5x128x128xf32, #tpu.memory_space<vmem>> -> memref<1x128x128xf32, #tpu.memory_space<vmem>>
      %dma_wait3A_160 = tpu.memref_squeeze %dma_wait3A_159 : memref<1x128x128xf32, #tpu.memory_space<vmem>> -> memref<128x128xf32, #tpu.memory_space<vmem>>
      %dma_wait3A_161 = arith.constant 0 : i32
      %dma_wait3A_162 = arith.constant 0 : i32
      %dma_wait3A_163 = tpu.memref_slice %arg3[%dma_wait3A_161, %dma_wait3A_162] : memref<100000x128xf32, #tpu.memory_space<hbm>> -> memref<128x128xf32, #tpu.memory_space<hbm>>
      %dma_wait3A_164 = arith.constant 0 : i32
      %dma_wait3A_165 = arith.constant 0 : i32
      %dma_wait3A_166 = tpu.memref_slice %arg6[%dma_wait3A_156, %dma_wait3A_164, %dma_wait3A_165] : memref<5x128x128xf32, #tpu.memory_space<vmem>> -> memref<1x128x128xf32, #tpu.memory_space<vmem>>
      %dma_wait3A_167 = tpu.memref_squeeze %dma_wait3A_166 : memref<1x128x128xf32, #tpu.memory_space<vmem>> -> memref<128x128xf32, #tpu.memory_space<vmem>>
      %dma_wait3A_168 = arith.constant 0 : i32
      %dma_wait3A_169 = arith.constant 0 : i32
      %dma_wait3A_170 = tpu.memref_slice %arg3[%dma_wait3A_168, %dma_wait3A_169] : memref<100000x128xf32, #tpu.memory_space<hbm>> -> memref<128x128xf32, #tpu.memory_space<hbm>>
      tpu.wait_dma2 semaphore(%arg7 : memref<!tpu.dma_semaphore, #tpu.memory_space<semaphore_mem>>) src(%dma_wait3A_170 : memref<128x128xf32, #tpu.memory_space<hbm>>) dst(%dma_wait3A_167 : memref<128x128xf32, #tpu.memory_space<vmem>>)
      %mul3A_171 = arith.constant 128 : i32
      %mul3A_172 = arith.muli %add3A_140, %mul3A_171 : i32
      %add3A_173 = arith.addi %mul3A_2, %mul3A_172 : i32
      %dma_start3A_174 = arith.constant 1 : i32
      %dma_start3A_175 = arith.constant 0 : i32
      %dma_start3A_176 = arith.constant 0 : i32
      %dma_start3A_177 = tpu.memref_slice %arg6[%dma_start3A_174, %dma_start3A_175, %dma_start3A_176] : memref<5x128x128xf32, #tpu.memory_space<vmem>> -> memref<1x128x128xf32, #tpu.memory_space<vmem>>
      %dma_start3A_178 = tpu.memref_squeeze %dma_start3A_177 : memref<1x128x128xf32, #tpu.memory_space<vmem>> -> memref<128x128xf32, #tpu.memory_space<vmem>>
      %dma_start3A_179 = arith.constant 0 : i32
      %dma_start3A_180 = tpu.memref_slice %arg4[%add3A_173, %dma_start3A_179] : memref<204800x128xf32, #tpu.memory_space<hbm>> -> memref<128x128xf32, #tpu.memory_space<hbm>>
      %dma_start3A_181 = arith.constant 0 : i32
      %dma_start3A_182 = tpu.memref_slice %arg4[%add3A_173, %dma_start3A_181] : memref<204800x128xf32, #tpu.memory_space<hbm>> -> memref<128x128xf32, #tpu.memory_space<hbm>>
      %dma_start3A_183 = arith.constant 0 : i32
      %dma_start3A_184 = arith.constant 0 : i32
      %dma_start3A_185 = tpu.memref_slice %arg6[%dma_start3A_174, %dma_start3A_183, %dma_start3A_184] : memref<5x128x128xf32, #tpu.memory_space<vmem>> -> memref<1x128x128xf32, #tpu.memory_space<vmem>>
      %dma_start3A_186 = tpu.memref_squeeze %dma_start3A_185 : memref<1x128x128xf32, #tpu.memory_space<vmem>> -> memref<128x128xf32, #tpu.memory_space<vmem>>
      tpu.enqueue_dma source(%dma_start3A_186 : memref<128x128xf32, #tpu.memory_space<vmem>>) target(%dma_start3A_182 : memref<128x128xf32, #tpu.memory_space<hbm>>) target_semaphore(%arg8 : memref<!tpu.dma_semaphore, #tpu.memory_space<semaphore_mem>>)
      %mul3A_187 = arith.constant 5 : i32
      %mul3A_188 = arith.muli %scan3A_91, %mul3A_187 : i32
      %add3A_189 = arith.constant 2 : i32
      %add3A_190 = arith.addi %mul3A_188, %add3A_189 : i32
      %add3A_191 = arith.constant 2 : i32
      %add3A_192 = arith.addi %add3A_190, %add3A_191 : i32
      %lt3A_193 = arith.constant 50 : i32
      %lt3A_194 = arith.cmpi slt, %add3A_192, %lt3A_193 : i32
      %ge3A_195 = arith.constant 5 : i32
      %ge3A_196 = arith.cmpi sge, %add3A_192, %ge3A_195 : i32
      %and3A_197 = arith.andi %lt3A_194, %ge3A_196 : i1
      %convert_element_type3A_198 = arith.extui %and3A_197 : i1 to i32
      %cond3A_199 = arith.constant 0 : i32
      %cond3A_200 = arith.cmpi ne, %convert_element_type3A_198, %cond3A_199 : i32
      scf.if %cond3A_200 {
        %dma_wait3A_337 = arith.constant 4 : i32
        %dma_wait3A_338 = arith.constant 0 : i32
        %dma_wait3A_339 = arith.constant 0 : i32
        %dma_wait3A_340 = tpu.memref_slice %arg6[%dma_wait3A_337, %dma_wait3A_338, %dma_wait3A_339] : memref<5x128x128xf32, #tpu.memory_space<vmem>> -> memref<1x128x128xf32, #tpu.memory_space<vmem>>
        %dma_wait3A_341 = tpu.memref_squeeze %dma_wait3A_340 : memref<1x128x128xf32, #tpu.memory_space<vmem>> -> memref<128x128xf32, #tpu.memory_space<vmem>>
        %dma_wait3A_342 = arith.constant 0 : i32
        %dma_wait3A_343 = tpu.memref_slice %arg4[%mul3A_2, %dma_wait3A_342] : memref<204800x128xf32, #tpu.memory_space<hbm>> -> memref<128x128xf32, #tpu.memory_space<hbm>>
        %dma_wait3A_344 = arith.constant 0 : i32
        %dma_wait3A_345 = tpu.memref_slice %arg4[%mul3A_2, %dma_wait3A_344] : memref<204800x128xf32, #tpu.memory_space<hbm>> -> memref<128x128xf32, #tpu.memory_space<hbm>>
        %dma_wait3A_346 = arith.constant 0 : i32
        %dma_wait3A_347 = arith.constant 0 : i32
        %dma_wait3A_348 = tpu.memref_slice %arg6[%dma_wait3A_337, %dma_wait3A_346, %dma_wait3A_347] : memref<5x128x128xf32, #tpu.memory_space<vmem>> -> memref<1x128x128xf32, #tpu.memory_space<vmem>>
        %dma_wait3A_349 = tpu.memref_squeeze %dma_wait3A_348 : memref<1x128x128xf32, #tpu.memory_space<vmem>> -> memref<128x128xf32, #tpu.memory_space<vmem>>
        tpu.wait_dma2 semaphore(%arg8 : memref<!tpu.dma_semaphore, #tpu.memory_space<semaphore_mem>>) src(%dma_wait3A_349 : memref<128x128xf32, #tpu.memory_space<vmem>>) dst(%dma_wait3A_345 : memref<128x128xf32, #tpu.memory_space<hbm>>)
      } else {
      }
      %lt3A_201 = arith.constant 50 : i32
      %lt3A_202 = arith.cmpi slt, %add3A_192, %lt3A_201 : i32
      %convert_element_type3A_203 = arith.extui %lt3A_202 : i1 to i32
      %cond3A_204 = arith.constant 0 : i32
      %cond3A_205 = arith.cmpi ne, %convert_element_type3A_203, %cond3A_204 : i32
      scf.if %cond3A_205 {
        %mul3A_337 = arith.constant 128 : i32
        %mul3A_338 = arith.muli %add3A_192, %mul3A_337 : i32
        %dma_start3A_339 = arith.constant 4 : i32
        %dma_start3A_340 = arith.constant 0 : i32
        %dma_start3A_341 = arith.constant 0 : i32
        %dma_start3A_342 = tpu.memref_slice %arg6[%dma_start3A_339, %dma_start3A_340, %dma_start3A_341] : memref<5x128x128xf32, #tpu.memory_space<vmem>> -> memref<1x128x128xf32, #tpu.memory_space<vmem>>
        %dma_start3A_343 = tpu.memref_squeeze %dma_start3A_342 : memref<1x128x128xf32, #tpu.memory_space<vmem>> -> memref<128x128xf32, #tpu.memory_space<vmem>>
        %dma_start3A_344 = tpu.memref_slice %arg5[%mul3A_338] : memref<6400xi32, #tpu.memory_space<vmem>> -> memref<128xi32, #tpu.memory_space<vmem>>
        %dma_start3A_345 = arith.constant 0 : i32
        %dma_start3A_346 = arith.constant 0 : i32
        %dma_start3A_347 = tpu.memref_slice %arg3[%dma_start3A_345, %dma_start3A_346] : memref<100000x128xf32, #tpu.memory_space<hbm>> -> memref<100000x128xf32, #tpu.memory_space<hbm>>
        tpu.enqueue_indirect_dma source(%dma_start3A_347 : memref<100000x128xf32, #tpu.memory_space<hbm>>) target(%dma_start3A_343 : memref<128x128xf32, #tpu.memory_space<vmem>>) offsets(%dma_start3A_344 : memref<128xi32, #tpu.memory_space<vmem>>) semaphore(%arg7 : memref<!tpu.dma_semaphore, #tpu.memory_space<semaphore_mem>>)
      } else {
      }
      %dma_wait3A_206 = arith.constant 2 : i32
      %dma_wait3A_207 = arith.constant 0 : i32
      %dma_wait3A_208 = arith.constant 0 : i32
      %dma_wait3A_209 = tpu.memref_slice %arg6[%dma_wait3A_206, %dma_wait3A_207, %dma_wait3A_208] : memref<5x128x128xf32, #tpu.memory_space<vmem>> -> memref<1x128x128xf32, #tpu.memory_space<vmem>>
      %dma_wait3A_210 = tpu.memref_squeeze %dma_wait3A_209 : memref<1x128x128xf32, #tpu.memory_space<vmem>> -> memref<128x128xf32, #tpu.memory_space<vmem>>
      %dma_wait3A_211 = arith.constant 0 : i32
      %dma_wait3A_212 = arith.constant 0 : i32
      %dma_wait3A_213 = tpu.memref_slice %arg3[%dma_wait3A_211, %dma_wait3A_212] : memref<100000x128xf32, #tpu.memory_space<hbm>> -> memref<128x128xf32, #tpu.memory_space<hbm>>
      %dma_wait3A_214 = arith.constant 0 : i32
      %dma_wait3A_215 = arith.constant 0 : i32
      %dma_wait3A_216 = tpu.memref_slice %arg6[%dma_wait3A_206, %dma_wait3A_214, %dma_wait3A_215] : memref<5x128x128xf32, #tpu.memory_space<vmem>> -> memref<1x128x128xf32, #tpu.memory_space<vmem>>
      %dma_wait3A_217 = tpu.memref_squeeze %dma_wait3A_216 : memref<1x128x128xf32, #tpu.memory_space<vmem>> -> memref<128x128xf32, #tpu.memory_space<vmem>>
      %dma_wait3A_218 = arith.constant 0 : i32
      %dma_wait3A_219 = arith.constant 0 : i32
      %dma_wait3A_220 = tpu.memref_slice %arg3[%dma_wait3A_218, %dma_wait3A_219] : memref<100000x128xf32, #tpu.memory_space<hbm>> -> memref<128x128xf32, #tpu.memory_space<hbm>>
      tpu.wait_dma2 semaphore(%arg7 : memref<!tpu.dma_semaphore, #tpu.memory_space<semaphore_mem>>) src(%dma_wait3A_220 : memref<128x128xf32, #tpu.memory_space<hbm>>) dst(%dma_wait3A_217 : memref<128x128xf32, #tpu.memory_space<vmem>>)
      %mul3A_221 = arith.constant 128 : i32
      %mul3A_222 = arith.muli %add3A_190, %mul3A_221 : i32
      %add3A_223 = arith.addi %mul3A_2, %mul3A_222 : i32
      %dma_start3A_224 = arith.constant 2 : i32
      %dma_start3A_225 = arith.constant 0 : i32
      %dma_start3A_226 = arith.constant 0 : i32
      %dma_start3A_227 = tpu.memref_slice %arg6[%dma_start3A_224, %dma_start3A_225, %dma_start3A_226] : memref<5x128x128xf32, #tpu.memory_space<vmem>> -> memref<1x128x128xf32, #tpu.memory_space<vmem>>
      %dma_start3A_228 = tpu.memref_squeeze %dma_start3A_227 : memref<1x128x128xf32, #tpu.memory_space<vmem>> -> memref<128x128xf32, #tpu.memory_space<vmem>>
      %dma_start3A_229 = arith.constant 0 : i32
      %dma_start3A_230 = tpu.memref_slice %arg4[%add3A_223, %dma_start3A_229] : memref<204800x128xf32, #tpu.memory_space<hbm>> -> memref<128x128xf32, #tpu.memory_space<hbm>>
      %dma_start3A_231 = arith.constant 0 : i32
      %dma_start3A_232 = tpu.memref_slice %arg4[%add3A_223, %dma_start3A_231] : memref<204800x128xf32, #tpu.memory_space<hbm>> -> memref<128x128xf32, #tpu.memory_space<hbm>>
      %dma_start3A_233 = arith.constant 0 : i32
      %dma_start3A_234 = arith.constant 0 : i32
      %dma_start3A_235 = tpu.memref_slice %arg6[%dma_start3A_224, %dma_start3A_233, %dma_start3A_234] : memref<5x128x128xf32, #tpu.memory_space<vmem>> -> memref<1x128x128xf32, #tpu.memory_space<vmem>>
      %dma_start3A_236 = tpu.memref_squeeze %dma_start3A_235 : memref<1x128x128xf32, #tpu.memory_space<vmem>> -> memref<128x128xf32, #tpu.memory_space<vmem>>
      tpu.enqueue_dma source(%dma_start3A_236 : memref<128x128xf32, #tpu.memory_space<vmem>>) target(%dma_start3A_232 : memref<128x128xf32, #tpu.memory_space<hbm>>) target_semaphore(%arg8 : memref<!tpu.dma_semaphore, #tpu.memory_space<semaphore_mem>>)
      %mul3A_237 = arith.constant 5 : i32
      %mul3A_238 = arith.muli %scan3A_91, %mul3A_237 : i32
      %add3A_239 = arith.constant 3 : i32
      %add3A_240 = arith.addi %mul3A_238, %add3A_239 : i32
      %add3A_241 = arith.constant 2 : i32
      %add3A_242 = arith.addi %add3A_240, %add3A_241 : i32
      %lt3A_243 = arith.constant 50 : i32
      %lt3A_244 = arith.cmpi slt, %add3A_242, %lt3A_243 : i32
      %ge3A_245 = arith.constant 5 : i32
      %ge3A_246 = arith.cmpi sge, %add3A_242, %ge3A_245 : i32
      %and3A_247 = arith.andi %lt3A_244, %ge3A_246 : i1
      %convert_element_type3A_248 = arith.extui %and3A_247 : i1 to i32
      %cond3A_249 = arith.constant 0 : i32
      %cond3A_250 = arith.cmpi ne, %convert_element_type3A_248, %cond3A_249 : i32
      scf.if %cond3A_250 {
        %dma_wait3A_337 = arith.constant 0 : i32
        %dma_wait3A_338 = arith.constant 0 : i32
        %dma_wait3A_339 = arith.constant 0 : i32
        %dma_wait3A_340 = tpu.memref_slice %arg6[%dma_wait3A_337, %dma_wait3A_338, %dma_wait3A_339] : memref<5x128x128xf32, #tpu.memory_space<vmem>> -> memref<1x128x128xf32, #tpu.memory_space<vmem>>
        %dma_wait3A_341 = tpu.memref_squeeze %dma_wait3A_340 : memref<1x128x128xf32, #tpu.memory_space<vmem>> -> memref<128x128xf32, #tpu.memory_space<vmem>>
        %dma_wait3A_342 = arith.constant 0 : i32
        %dma_wait3A_343 = tpu.memref_slice %arg4[%mul3A_2, %dma_wait3A_342] : memref<204800x128xf32, #tpu.memory_space<hbm>> -> memref<128x128xf32, #tpu.memory_space<hbm>>
        %dma_wait3A_344 = arith.constant 0 : i32
        %dma_wait3A_345 = tpu.memref_slice %arg4[%mul3A_2, %dma_wait3A_344] : memref<204800x128xf32, #tpu.memory_space<hbm>> -> memref<128x128xf32, #tpu.memory_space<hbm>>
        %dma_wait3A_346 = arith.constant 0 : i32
        %dma_wait3A_347 = arith.constant 0 : i32
        %dma_wait3A_348 = tpu.memref_slice %arg6[%dma_wait3A_337, %dma_wait3A_346, %dma_wait3A_347] : memref<5x128x128xf32, #tpu.memory_space<vmem>> -> memref<1x128x128xf32, #tpu.memory_space<vmem>>
        %dma_wait3A_349 = tpu.memref_squeeze %dma_wait3A_348 : memref<1x128x128xf32, #tpu.memory_space<vmem>> -> memref<128x128xf32, #tpu.memory_space<vmem>>
        tpu.wait_dma2 semaphore(%arg8 : memref<!tpu.dma_semaphore, #tpu.memory_space<semaphore_mem>>) src(%dma_wait3A_349 : memref<128x128xf32, #tpu.memory_space<vmem>>) dst(%dma_wait3A_345 : memref<128x128xf32, #tpu.memory_space<hbm>>)
      } else {
      }
      %lt3A_251 = arith.constant 50 : i32
      %lt3A_252 = arith.cmpi slt, %add3A_242, %lt3A_251 : i32
      %convert_element_type3A_253 = arith.extui %lt3A_252 : i1 to i32
      %cond3A_254 = arith.constant 0 : i32
      %cond3A_255 = arith.cmpi ne, %convert_element_type3A_253, %cond3A_254 : i32
      scf.if %cond3A_255 {
        %mul3A_337 = arith.constant 128 : i32
        %mul3A_338 = arith.muli %add3A_242, %mul3A_337 : i32
        %dma_start3A_339 = arith.constant 0 : i32
        %dma_start3A_340 = arith.constant 0 : i32
        %dma_start3A_341 = arith.constant 0 : i32
        %dma_start3A_342 = tpu.memref_slice %arg6[%dma_start3A_339, %dma_start3A_340, %dma_start3A_341] : memref<5x128x128xf32, #tpu.memory_space<vmem>> -> memref<1x128x128xf32, #tpu.memory_space<vmem>>
        %dma_start3A_343 = tpu.memref_squeeze %dma_start3A_342 : memref<1x128x128xf32, #tpu.memory_space<vmem>> -> memref<128x128xf32, #tpu.memory_space<vmem>>
        %dma_start3A_344 = tpu.memref_slice %arg5[%mul3A_338] : memref<6400xi32, #tpu.memory_space<vmem>> -> memref<128xi32, #tpu.memory_space<vmem>>
        %dma_start3A_345 = arith.constant 0 : i32
        %dma_start3A_346 = arith.constant 0 : i32
        %dma_start3A_347 = tpu.memref_slice %arg3[%dma_start3A_345, %dma_start3A_346] : memref<100000x128xf32, #tpu.memory_space<hbm>> -> memref<100000x128xf32, #tpu.memory_space<hbm>>
        tpu.enqueue_indirect_dma source(%dma_start3A_347 : memref<100000x128xf32, #tpu.memory_space<hbm>>) target(%dma_start3A_343 : memref<128x128xf32, #tpu.memory_space<vmem>>) offsets(%dma_start3A_344 : memref<128xi32, #tpu.memory_space<vmem>>) semaphore(%arg7 : memref<!tpu.dma_semaphore, #tpu.memory_space<semaphore_mem>>)
      } else {
      }
      %dma_wait3A_256 = arith.constant 3 : i32
      %dma_wait3A_257 = arith.constant 0 : i32
      %dma_wait3A_258 = arith.constant 0 : i32
      %dma_wait3A_259 = tpu.memref_slice %arg6[%dma_wait3A_256, %dma_wait3A_257, %dma_wait3A_258] : memref<5x128x128xf32, #tpu.memory_space<vmem>> -> memref<1x128x128xf32, #tpu.memory_space<vmem>>
      %dma_wait3A_260 = tpu.memref_squeeze %dma_wait3A_259 : memref<1x128x128xf32, #tpu.memory_space<vmem>> -> memref<128x128xf32, #tpu.memory_space<vmem>>
      %dma_wait3A_261 = arith.constant 0 : i32
      %dma_wait3A_262 = arith.constant 0 : i32
      %dma_wait3A_263 = tpu.memref_slice %arg3[%dma_wait3A_261, %dma_wait3A_262] : memref<100000x128xf32, #tpu.memory_space<hbm>> -> memref<128x128xf32, #tpu.memory_space<hbm>>
      %dma_wait3A_264 = arith.constant 0 : i32
      %dma_wait3A_265 = arith.constant 0 : i32
      %dma_wait3A_266 = tpu.memref_slice %arg6[%dma_wait3A_256, %dma_wait3A_264, %dma_wait3A_265] : memref<5x128x128xf32, #tpu.memory_space<vmem>> -> memref<1x128x128xf32, #tpu.memory_space<vmem>>
      %dma_wait3A_267 = tpu.memref_squeeze %dma_wait3A_266 : memref<1x128x128xf32, #tpu.memory_space<vmem>> -> memref<128x128xf32, #tpu.memory_space<vmem>>
      %dma_wait3A_268 = arith.constant 0 : i32
      %dma_wait3A_269 = arith.constant 0 : i32
      %dma_wait3A_270 = tpu.memref_slice %arg3[%dma_wait3A_268, %dma_wait3A_269] : memref<100000x128xf32, #tpu.memory_space<hbm>> -> memref<128x128xf32, #tpu.memory_space<hbm>>
      tpu.wait_dma2 semaphore(%arg7 : memref<!tpu.dma_semaphore, #tpu.memory_space<semaphore_mem>>) src(%dma_wait3A_270 : memref<128x128xf32, #tpu.memory_space<hbm>>) dst(%dma_wait3A_267 : memref<128x128xf32, #tpu.memory_space<vmem>>)
      %mul3A_271 = arith.constant 128 : i32
      %mul3A_272 = arith.muli %add3A_240, %mul3A_271 : i32
      %add3A_273 = arith.addi %mul3A_2, %mul3A_272 : i32
      %dma_start3A_274 = arith.constant 3 : i32
      %dma_start3A_275 = arith.constant 0 : i32
      %dma_start3A_276 = arith.constant 0 : i32
      %dma_start3A_277 = tpu.memref_slice %arg6[%dma_start3A_274, %dma_start3A_275, %dma_start3A_276] : memref<5x128x128xf32, #tpu.memory_space<vmem>> -> memref<1x128x128xf32, #tpu.memory_space<vmem>>
      %dma_start3A_278 = tpu.memref_squeeze %dma_start3A_277 : memref<1x128x128xf32, #tpu.memory_space<vmem>> -> memref<128x128xf32, #tpu.memory_space<vmem>>
      %dma_start3A_279 = arith.constant 0 : i32
      %dma_start3A_280 = tpu.memref_slice %arg4[%add3A_273, %dma_start3A_279] : memref<204800x128xf32, #tpu.memory_space<hbm>> -> memref<128x128xf32, #tpu.memory_space<hbm>>
      %dma_start3A_281 = arith.constant 0 : i32
      %dma_start3A_282 = tpu.memref_slice %arg4[%add3A_273, %dma_start3A_281] : memref<204800x128xf32, #tpu.memory_space<hbm>> -> memref<128x128xf32, #tpu.memory_space<hbm>>
      %dma_start3A_283 = arith.constant 0 : i32
      %dma_start3A_284 = arith.constant 0 : i32
      %dma_start3A_285 = tpu.memref_slice %arg6[%dma_start3A_274, %dma_start3A_283, %dma_start3A_284] : memref<5x128x128xf32, #tpu.memory_space<vmem>> -> memref<1x128x128xf32, #tpu.memory_space<vmem>>
      %dma_start3A_286 = tpu.memref_squeeze %dma_start3A_285 : memref<1x128x128xf32, #tpu.memory_space<vmem>> -> memref<128x128xf32, #tpu.memory_space<vmem>>
      tpu.enqueue_dma source(%dma_start3A_286 : memref<128x128xf32, #tpu.memory_space<vmem>>) target(%dma_start3A_282 : memref<128x128xf32, #tpu.memory_space<hbm>>) target_semaphore(%arg8 : memref<!tpu.dma_semaphore, #tpu.memory_space<semaphore_mem>>)
      %mul3A_287 = arith.constant 5 : i32
      %mul3A_288 = arith.muli %scan3A_91, %mul3A_287 : i32
      %add3A_289 = arith.constant 4 : i32
      %add3A_290 = arith.addi %mul3A_288, %add3A_289 : i32
      %add3A_291 = arith.constant 2 : i32
      %add3A_292 = arith.addi %add3A_290, %add3A_291 : i32
      %lt3A_293 = arith.constant 50 : i32
      %lt3A_294 = arith.cmpi slt, %add3A_292, %lt3A_293 : i32
      %ge3A_295 = arith.constant 5 : i32
      %ge3A_296 = arith.cmpi sge, %add3A_292, %ge3A_295 : i32
      %and3A_297 = arith.andi %lt3A_294, %ge3A_296 : i1
      %convert_element_type3A_298 = arith.extui %and3A_297 : i1 to i32
      %cond3A_299 = arith.constant 0 : i32
      %cond3A_300 = arith.cmpi ne, %convert_element_type3A_298, %cond3A_299 : i32
      scf.if %cond3A_300 {
        %dma_wait3A_337 = arith.constant 1 : i32
        %dma_wait3A_338 = arith.constant 0 : i32
        %dma_wait3A_339 = arith.constant 0 : i32
        %dma_wait3A_340 = tpu.memref_slice %arg6[%dma_wait3A_337, %dma_wait3A_338, %dma_wait3A_339] : memref<5x128x128xf32, #tpu.memory_space<vmem>> -> memref<1x128x128xf32, #tpu.memory_space<vmem>>
        %dma_wait3A_341 = tpu.memref_squeeze %dma_wait3A_340 : memref<1x128x128xf32, #tpu.memory_space<vmem>> -> memref<128x128xf32, #tpu.memory_space<vmem>>
        %dma_wait3A_342 = arith.constant 0 : i32
        %dma_wait3A_343 = tpu.memref_slice %arg4[%mul3A_2, %dma_wait3A_342] : memref<204800x128xf32, #tpu.memory_space<hbm>> -> memref<128x128xf32, #tpu.memory_space<hbm>>
        %dma_wait3A_344 = arith.constant 0 : i32
        %dma_wait3A_345 = tpu.memref_slice %arg4[%mul3A_2, %dma_wait3A_344] : memref<204800x128xf32, #tpu.memory_space<hbm>> -> memref<128x128xf32, #tpu.memory_space<hbm>>
        %dma_wait3A_346 = arith.constant 0 : i32
        %dma_wait3A_347 = arith.constant 0 : i32
        %dma_wait3A_348 = tpu.memref_slice %arg6[%dma_wait3A_337, %dma_wait3A_346, %dma_wait3A_347] : memref<5x128x128xf32, #tpu.memory_space<vmem>> -> memref<1x128x128xf32, #tpu.memory_space<vmem>>
        %dma_wait3A_349 = tpu.memref_squeeze %dma_wait3A_348 : memref<1x128x128xf32, #tpu.memory_space<vmem>> -> memref<128x128xf32, #tpu.memory_space<vmem>>
        tpu.wait_dma2 semaphore(%arg8 : memref<!tpu.dma_semaphore, #tpu.memory_space<semaphore_mem>>) src(%dma_wait3A_349 : memref<128x128xf32, #tpu.memory_space<vmem>>) dst(%dma_wait3A_345 : memref<128x128xf32, #tpu.memory_space<hbm>>)
      } else {
      }
      %lt3A_301 = arith.constant 50 : i32
      %lt3A_302 = arith.cmpi slt, %add3A_292, %lt3A_301 : i32
      %convert_element_type3A_303 = arith.extui %lt3A_302 : i1 to i32
      %cond3A_304 = arith.constant 0 : i32
      %cond3A_305 = arith.cmpi ne, %convert_element_type3A_303, %cond3A_304 : i32
      scf.if %cond3A_305 {
        %mul3A_337 = arith.constant 128 : i32
        %mul3A_338 = arith.muli %add3A_292, %mul3A_337 : i32
        %dma_start3A_339 = arith.constant 1 : i32
        %dma_start3A_340 = arith.constant 0 : i32
        %dma_start3A_341 = arith.constant 0 : i32
        %dma_start3A_342 = tpu.memref_slice %arg6[%dma_start3A_339, %dma_start3A_340, %dma_start3A_341] : memref<5x128x128xf32, #tpu.memory_space<vmem>> -> memref<1x128x128xf32, #tpu.memory_space<vmem>>
        %dma_start3A_343 = tpu.memref_squeeze %dma_start3A_342 : memref<1x128x128xf32, #tpu.memory_space<vmem>> -> memref<128x128xf32, #tpu.memory_space<vmem>>
        %dma_start3A_344 = tpu.memref_slice %arg5[%mul3A_338] : memref<6400xi32, #tpu.memory_space<vmem>> -> memref<128xi32, #tpu.memory_space<vmem>>
        %dma_start3A_345 = arith.constant 0 : i32
        %dma_start3A_346 = arith.constant 0 : i32
        %dma_start3A_347 = tpu.memref_slice %arg3[%dma_start3A_345, %dma_start3A_346] : memref<100000x128xf32, #tpu.memory_space<hbm>> -> memref<100000x128xf32, #tpu.memory_space<hbm>>
        tpu.enqueue_indirect_dma source(%dma_start3A_347 : memref<100000x128xf32, #tpu.memory_space<hbm>>) target(%dma_start3A_343 : memref<128x128xf32, #tpu.memory_space<vmem>>) offsets(%dma_start3A_344 : memref<128xi32, #tpu.memory_space<vmem>>) semaphore(%arg7 : memref<!tpu.dma_semaphore, #tpu.memory_space<semaphore_mem>>)
      } else {
      }
      %dma_wait3A_306 = arith.constant 4 : i32
      %dma_wait3A_307 = arith.constant 0 : i32
      %dma_wait3A_308 = arith.constant 0 : i32
      %dma_wait3A_309 = tpu.memref_slice %arg6[%dma_wait3A_306, %dma_wait3A_307, %dma_wait3A_308] : memref<5x128x128xf32, #tpu.memory_space<vmem>> -> memref<1x128x128xf32, #tpu.memory_space<vmem>>
      %dma_wait3A_310 = tpu.memref_squeeze %dma_wait3A_309 : memref<1x128x128xf32, #tpu.memory_space<vmem>> -> memref<128x128xf32, #tpu.memory_space<vmem>>
      %dma_wait3A_311 = arith.constant 0 : i32
      %dma_wait3A_312 = arith.constant 0 : i32
      %dma_wait3A_313 = tpu.memref_slice %arg3[%dma_wait3A_311, %dma_wait3A_312] : memref<100000x128xf32, #tpu.memory_space<hbm>> -> memref<128x128xf32, #tpu.memory_space<hbm>>
      %dma_wait3A_314 = arith.constant 0 : i32
      %dma_wait3A_315 = arith.constant 0 : i32
      %dma_wait3A_316 = tpu.memref_slice %arg6[%dma_wait3A_306, %dma_wait3A_314, %dma_wait3A_315] : memref<5x128x128xf32, #tpu.memory_space<vmem>> -> memref<1x128x128xf32, #tpu.memory_space<vmem>>
      %dma_wait3A_317 = tpu.memref_squeeze %dma_wait3A_316 : memref<1x128x128xf32, #tpu.memory_space<vmem>> -> memref<128x128xf32, #tpu.memory_space<vmem>>
      %dma_wait3A_318 = arith.constant 0 : i32
      %dma_wait3A_319 = arith.constant 0 : i32
      %dma_wait3A_320 = tpu.memref_slice %arg3[%dma_wait3A_318, %dma_wait3A_319] : memref<100000x128xf32, #tpu.memory_space<hbm>> -> memref<128x128xf32, #tpu.memory_space<hbm>>
      tpu.wait_dma2 semaphore(%arg7 : memref<!tpu.dma_semaphore, #tpu.memory_space<semaphore_mem>>) src(%dma_wait3A_320 : memref<128x128xf32, #tpu.memory_space<hbm>>) dst(%dma_wait3A_317 : memref<128x128xf32, #tpu.memory_space<vmem>>)
      %mul3A_321 = arith.constant 128 : i32
      %mul3A_322 = arith.muli %add3A_290, %mul3A_321 : i32
      %add3A_323 = arith.addi %mul3A_2, %mul3A_322 : i32
      %dma_start3A_324 = arith.constant 4 : i32
      %dma_start3A_325 = arith.constant 0 : i32
      %dma_start3A_326 = arith.constant 0 : i32
      %dma_start3A_327 = tpu.memref_slice %arg6[%dma_start3A_324, %dma_start3A_325, %dma_start3A_326] : memref<5x128x128xf32, #tpu.memory_space<vmem>> -> memref<1x128x128xf32, #tpu.memory_space<vmem>>
      %dma_start3A_328 = tpu.memref_squeeze %dma_start3A_327 : memref<1x128x128xf32, #tpu.memory_space<vmem>> -> memref<128x128xf32, #tpu.memory_space<vmem>>
      %dma_start3A_329 = arith.constant 0 : i32
      %dma_start3A_330 = tpu.memref_slice %arg4[%add3A_323, %dma_start3A_329] : memref<204800x128xf32, #tpu.memory_space<hbm>> -> memref<128x128xf32, #tpu.memory_space<hbm>>
      %dma_start3A_331 = arith.constant 0 : i32
      %dma_start3A_332 = tpu.memref_slice %arg4[%add3A_323, %dma_start3A_331] : memref<204800x128xf32, #tpu.memory_space<hbm>> -> memref<128x128xf32, #tpu.memory_space<hbm>>
      %dma_start3A_333 = arith.constant 0 : i32
      %dma_start3A_334 = arith.constant 0 : i32
      %dma_start3A_335 = tpu.memref_slice %arg6[%dma_start3A_324, %dma_start3A_333, %dma_start3A_334] : memref<5x128x128xf32, #tpu.memory_space<vmem>> -> memref<1x128x128xf32, #tpu.memory_space<vmem>>
      %dma_start3A_336 = tpu.memref_squeeze %dma_start3A_335 : memref<1x128x128xf32, #tpu.memory_space<vmem>> -> memref<128x128xf32, #tpu.memory_space<vmem>>
      tpu.enqueue_dma source(%dma_start3A_336 : memref<128x128xf32, #tpu.memory_space<vmem>>) target(%dma_start3A_332 : memref<128x128xf32, #tpu.memory_space<hbm>>) target_semaphore(%arg8 : memref<!tpu.dma_semaphore, #tpu.memory_space<semaphore_mem>>)
    }
    %scan3A_26 = arith.constant 10 : i32
    %dma_wait3A = arith.constant 0 : i32
    %dma_wait3A_27 = arith.constant 0 : i32
    %dma_wait3A_28 = arith.constant 0 : i32
    %dma_wait3A_29 = tpu.memref_slice %arg6[%dma_wait3A, %dma_wait3A_27, %dma_wait3A_28] : memref<5x128x128xf32, #tpu.memory_space<vmem>> -> memref<1x128x128xf32, #tpu.memory_space<vmem>>
    %dma_wait3A_30 = tpu.memref_squeeze %dma_wait3A_29 : memref<1x128x128xf32, #tpu.memory_space<vmem>> -> memref<128x128xf32, #tpu.memory_space<vmem>>
    %dma_wait3A_31 = arith.constant 0 : i32
    %dma_wait3A_32 = tpu.memref_slice %arg4[%mul3A_2, %dma_wait3A_31] : memref<204800x128xf32, #tpu.memory_space<hbm>> -> memref<128x128xf32, #tpu.memory_space<hbm>>
    %dma_wait3A_33 = arith.constant 0 : i32
    %dma_wait3A_34 = tpu.memref_slice %arg4[%mul3A_2, %dma_wait3A_33] : memref<204800x128xf32, #tpu.memory_space<hbm>> -> memref<128x128xf32, #tpu.memory_space<hbm>>
    %dma_wait3A_35 = arith.constant 0 : i32
    %dma_wait3A_36 = arith.constant 0 : i32
    %dma_wait3A_37 = tpu.memref_slice %arg6[%dma_wait3A, %dma_wait3A_35, %dma_wait3A_36] : memref<5x128x128xf32, #tpu.memory_space<vmem>> -> memref<1x128x128xf32, #tpu.memory_space<vmem>>
    %dma_wait3A_38 = tpu.memref_squeeze %dma_wait3A_37 : memref<1x128x128xf32, #tpu.memory_space<vmem>> -> memref<128x128xf32, #tpu.memory_space<vmem>>
    tpu.wait_dma2 semaphore(%arg8 : memref<!tpu.dma_semaphore, #tpu.memory_space<semaphore_mem>>) src(%dma_wait3A_38 : memref<128x128xf32, #tpu.memory_space<vmem>>) dst(%dma_wait3A_34 : memref<128x128xf32, #tpu.memory_space<hbm>>)
    %dma_wait3A_39 = arith.constant 1 : i32
    %dma_wait3A_40 = arith.constant 0 : i32
    %dma_wait3A_41 = arith.constant 0 : i32
    %dma_wait3A_42 = tpu.memref_slice %arg6[%dma_wait3A_39, %dma_wait3A_40, %dma_wait3A_41] : memref<5x128x128xf32, #tpu.memory_space<vmem>> -> memref<1x128x128xf32, #tpu.memory_space<vmem>>
    %dma_wait3A_43 = tpu.memref_squeeze %dma_wait3A_42 : memref<1x128x128xf32, #tpu.memory_space<vmem>> -> memref<128x128xf32, #tpu.memory_space<vmem>>
    %dma_wait3A_44 = arith.constant 0 : i32
    %dma_wait3A_45 = tpu.memref_slice %arg4[%mul3A_2, %dma_wait3A_44] : memref<204800x128xf32, #tpu.memory_space<hbm>> -> memref<128x128xf32, #tpu.memory_space<hbm>>
    %dma_wait3A_46 = arith.constant 0 : i32
    %dma_wait3A_47 = tpu.memref_slice %arg4[%mul3A_2, %dma_wait3A_46] : memref<204800x128xf32, #tpu.memory_space<hbm>> -> memref<128x128xf32, #tpu.memory_space<hbm>>
    %dma_wait3A_48 = arith.constant 0 : i32
    %dma_wait3A_49 = arith.constant 0 : i32
    %dma_wait3A_50 = tpu.memref_slice %arg6[%dma_wait3A_39, %dma_wait3A_48, %dma_wait3A_49] : memref<5x128x128xf32, #tpu.memory_space<vmem>> -> memref<1x128x128xf32, #tpu.memory_space<vmem>>
    %dma_wait3A_51 = tpu.memref_squeeze %dma_wait3A_50 : memref<1x128x128xf32, #tpu.memory_space<vmem>> -> memref<128x128xf32, #tpu.memory_space<vmem>>
    tpu.wait_dma2 semaphore(%arg8 : memref<!tpu.dma_semaphore, #tpu.memory_space<semaphore_mem>>) src(%dma_wait3A_51 : memref<128x128xf32, #tpu.memory_space<vmem>>) dst(%dma_wait3A_47 : memref<128x128xf32, #tpu.memory_space<hbm>>)
    %dma_wait3A_52 = arith.constant 2 : i32
    %dma_wait3A_53 = arith.constant 0 : i32
    %dma_wait3A_54 = arith.constant 0 : i32
    %dma_wait3A_55 = tpu.memref_slice %arg6[%dma_wait3A_52, %dma_wait3A_53, %dma_wait3A_54] : memref<5x128x128xf32, #tpu.memory_space<vmem>> -> memref<1x128x128xf32, #tpu.memory_space<vmem>>
    %dma_wait3A_56 = tpu.memref_squeeze %dma_wait3A_55 : memref<1x128x128xf32, #tpu.memory_space<vmem>> -> memref<128x128xf32, #tpu.memory_space<vmem>>
    %dma_wait3A_57 = arith.constant 0 : i32
    %dma_wait3A_58 = tpu.memref_slice %arg4[%mul3A_2, %dma_wait3A_57] : memref<204800x128xf32, #tpu.memory_space<hbm>> -> memref<128x128xf32, #tpu.memory_space<hbm>>
    %dma_wait3A_59 = arith.constant 0 : i32
    %dma_wait3A_60 = tpu.memref_slice %arg4[%mul3A_2, %dma_wait3A_59] : memref<204800x128xf32, #tpu.memory_space<hbm>> -> memref<128x128xf32, #tpu.memory_space<hbm>>
    %dma_wait3A_61 = arith.constant 0 : i32
    %dma_wait3A_62 = arith.constant 0 : i32
    %dma_wait3A_63 = tpu.memref_slice %arg6[%dma_wait3A_52, %dma_wait3A_61, %dma_wait3A_62] : memref<5x128x128xf32, #tpu.memory_space<vmem>> -> memref<1x128x128xf32, #tpu.memory_space<vmem>>
    %dma_wait3A_64 = tpu.memref_squeeze %dma_wait3A_63 : memref<1x128x128xf32, #tpu.memory_space<vmem>> -> memref<128x128xf32, #tpu.memory_space<vmem>>
    tpu.wait_dma2 semaphore(%arg8 : memref<!tpu.dma_semaphore, #tpu.memory_space<semaphore_mem>>) src(%dma_wait3A_64 : memref<128x128xf32, #tpu.memory_space<vmem>>) dst(%dma_wait3A_60 : memref<128x128xf32, #tpu.memory_space<hbm>>)
    %dma_wait3A_65 = arith.constant 3 : i32
    %dma_wait3A_66 = arith.constant 0 : i32
    %dma_wait3A_67 = arith.constant 0 : i32
    %dma_wait3A_68 = tpu.memref_slice %arg6[%dma_wait3A_65, %dma_wait3A_66, %dma_wait3A_67] : memref<5x128x128xf32, #tpu.memory_space<vmem>> -> memref<1x128x128xf32, #tpu.memory_space<vmem>>
    %dma_wait3A_69 = tpu.memref_squeeze %dma_wait3A_68 : memref<1x128x128xf32, #tpu.memory_space<vmem>> -> memref<128x128xf32, #tpu.memory_space<vmem>>
    %dma_wait3A_70 = arith.constant 0 : i32
    %dma_wait3A_71 = tpu.memref_slice %arg4[%mul3A_2, %dma_wait3A_70] : memref<204800x128xf32, #tpu.memory_space<hbm>> -> memref<128x128xf32, #tpu.memory_space<hbm>>
    %dma_wait3A_72 = arith.constant 0 : i32
    %dma_wait3A_73 = tpu.memref_slice %arg4[%mul3A_2, %dma_wait3A_72] : memref<204800x128xf32, #tpu.memory_space<hbm>> -> memref<128x128xf32, #tpu.memory_space<hbm>>
    %dma_wait3A_74 = arith.constant 0 : i32
    %dma_wait3A_75 = arith.constant 0 : i32
    %dma_wait3A_76 = tpu.memref_slice %arg6[%dma_wait3A_65, %dma_wait3A_74, %dma_wait3A_75] : memref<5x128x128xf32, #tpu.memory_space<vmem>> -> memref<1x128x128xf32, #tpu.memory_space<vmem>>
    %dma_wait3A_77 = tpu.memref_squeeze %dma_wait3A_76 : memref<1x128x128xf32, #tpu.memory_space<vmem>> -> memref<128x128xf32, #tpu.memory_space<vmem>>
    tpu.wait_dma2 semaphore(%arg8 : memref<!tpu.dma_semaphore, #tpu.memory_space<semaphore_mem>>) src(%dma_wait3A_77 : memref<128x128xf32, #tpu.memory_space<vmem>>) dst(%dma_wait3A_73 : memref<128x128xf32, #tpu.memory_space<hbm>>)
    %dma_wait3A_78 = arith.constant 4 : i32
    %dma_wait3A_79 = arith.constant 0 : i32
    %dma_wait3A_80 = arith.constant 0 : i32
    %dma_wait3A_81 = tpu.memref_slice %arg6[%dma_wait3A_78, %dma_wait3A_79, %dma_wait3A_80] : memref<5x128x128xf32, #tpu.memory_space<vmem>> -> memref<1x128x128xf32, #tpu.memory_space<vmem>>
    %dma_wait3A_82 = tpu.memref_squeeze %dma_wait3A_81 : memref<1x128x128xf32, #tpu.memory_space<vmem>> -> memref<128x128xf32, #tpu.memory_space<vmem>>
    %dma_wait3A_83 = arith.constant 0 : i32
    %dma_wait3A_84 = tpu.memref_slice %arg4[%mul3A_2, %dma_wait3A_83] : memref<204800x128xf32, #tpu.memory_space<hbm>> -> memref<128x128xf32, #tpu.memory_space<hbm>>
    %dma_wait3A_85 = arith.constant 0 : i32
    %dma_wait3A_86 = tpu.memref_slice %arg4[%mul3A_2, %dma_wait3A_85] : memref<204800x128xf32, #tpu.memory_space<hbm>> -> memref<128x128xf32, #tpu.memory_space<hbm>>
    %dma_wait3A_87 = arith.constant 0 : i32
    %dma_wait3A_88 = arith.constant 0 : i32
    %dma_wait3A_89 = tpu.memref_slice %arg6[%dma_wait3A_78, %dma_wait3A_87, %dma_wait3A_88] : memref<5x128x128xf32, #tpu.memory_space<vmem>> -> memref<1x128x128xf32, #tpu.memory_space<vmem>>
    %dma_wait3A_90 = tpu.memref_squeeze %dma_wait3A_89 : memref<1x128x128xf32, #tpu.memory_space<vmem>> -> memref<128x128xf32, #tpu.memory_space<vmem>>
    tpu.wait_dma2 semaphore(%arg8 : memref<!tpu.dma_semaphore, #tpu.memory_space<semaphore_mem>>) src(%dma_wait3A_90 : memref<128x128xf32, #tpu.memory_space<vmem>>) dst(%dma_wait3A_86 : memref<128x128xf32, #tpu.memory_space<hbm>>)
    return
  }
}

</mosaic_0001>

<sc_bundles>
// kernel: _embed.3.cloned.1.call-start
scs
__scs_entry_jumppad:
0x0: {  	(pc) =	sbr.rel $0x88, $3  }
0x1: {  	(tag) =	ssettag $0x0;
	lr =	simm.s32 $0x1  }
0x2: {  	[smem:$0x3F9F] =	sst lr;
	_ =	strace $0xD0000000  }
0x3: {  	_ = 	snop  }
0x4: {  	_ = 	snop  }
0x5: {  	_ = 	snop  }
0x6: {  	_ = 	snop  }
0x7: {  	_ = 	snop  }
__scs_overlays_trampoline_lowered:
0x8: {  	[smem:$0x3FAE] =	sst s0  }
0x9: {  	[smem:$0x3FAF] =	sst s1  }
0xa: {  	[smem:$0x3FB0] =	sst s2  }
0xb: {  	[smem:$0x3FB1] =	sst s3  }
0xc: {  	[smem:$0x3FB2] =	sst s4  }
0xd: {  	[smem:$0x3FB3] =	sst s5  }
0xe: {  	[smem:$0x3FB4] =	sst s6  }
0xf: {  	[smem:$0x3FB5] =	sst s7  }
0x10: {  	[smem:$0x3FB6] =	sst s8  }
0x11: {  	[smem:$0x3FB7] =	sst s9;
	s0 =	simm.s32 @!p0 $0x0  }
0x12: {  	s1 =	sld [smem:$0x3F9D];
	s0 =	simm.s32 @p0 $0x1  }
0x13: {  	[smem:$0x3FB8] =	sst s0;
	s0 =	simm.s32 @!p1 $0x0  }
0x14: {  	s2 =	sld [smem:$0x3F9C];
	s0 =	simm.s32 @p1 $0x1  }
0x15: {  	[smem:$0x3FB9] =	sst s0;
	s0 =	simm.s32 @!p2 $0x0  }
0x16: {  	s3 =	sld [smem:$0x3FDB];
	s0 =	simm.s32 @p2 $0x1  }
0x17: {  	s4 =	simm.s32 $0x1BF5;
	[smem:$0x3FBB] =	sst s0  }
0x18: {  	s0 =	sld [smem:$0x3F9E];
	_ =	swait.ge [sflag:s4], $0x0  }
0x19: {  	s7 =	sld [smem:$0x3F9F]  }
0x1a: {  	s8 =	sadd.s32 $0xFFFFE003, lr  }
0x1b: {  	s9 =	sadd.s32 $0xFFFFFEF7, lr;
	s5 =	simm.s32 $0xFFFFFFFF;
	p2 =	slt.u32 s8, $0xFFFFF086  }
0x1c: {  	p1 =	slt.u32 s9, $0xF7A;
	s5 =	simm.s32 @!p2 $0x0  }
0x1d: {  	s5 =	simm.s32 @p1 $0x1;
	p0 =	seq.s32 s7, s2  }
0x1e: {  	s7 =	smul.u32 @!p0 $0xF7A, s2;
	p2 =	seq.s32 @!p0 s5, $0x0  }
0x1f: {  	s9 =	smul.u32 $0xF7A, s1;
	s8 =	simm.s32 @!p0 $0x1BF5;
	p2 =	por !p2, p0  }
0x20: {  	[sflag:s8] =	ssyncset.s32 @!p0 $0xFFFFF086;
	s6 =	sadd.s32 @!p0 s3, s7;
	s7 =	simm.s32 @!p0 $0x108  }
0x21: {  	s3 =	sadd.s32 s3, s9;
	s6 =	sadd.s32 @!p0 $0x88, s6;
	s7 =	simm.s32 @p2 $0x1082  }
0x22: {  	[simem:s7], [sflag:s8] =	dma.local @!p0 [hbm:s6], $0xF7A  }
0x23: {  	s9 =	sor.u32 $0xD0000000, s2;
	s6 =	simm.s32 $0x108;
	_ =	swait.ge @!p0 [sflag:s8], $0x0  }
0x24: {  	s3 =	sadd.s32 $0x88, s3;
	s6 =	simm.s32 @!p1 $0x1082;
	[sflag:s4] =	ssyncset.s32 $0xFFFFF086  }
0x25: {  	[simem:s6], [sflag:s4] =	dma.local [hbm:s3], $0xF7A  }
0x26: {  	[smem:$0x3F9F] =	sst s1;
	(tag) =	ssettag s2;
	_ =	strace s9  }
0x27: {  	s1 =	sld [smem:$0x3FAF]  }
0x28: {  	s2 =	sld [smem:$0x3FB0]  }
0x29: {  	s4 =	sld [smem:$0x3FB2]  }
0x2a: {  	p0 =	seq.s32 s5, $0x0;
	s5 =	sld [smem:$0x3FB3]  }
0x2b: {  	s6 =	sld [smem:$0x3FB4]  }
0x2c: {  	s7 =	sld [smem:$0x3FB5]  }
0x2d: {  	s3 =	simm.s32 $0x108;
	s8 =	sld [smem:$0x3FB6]  }
0x2e: {  	s3 =	simm.s32 @!p0 $0x1082;
	s9 =	sld [smem:$0x3FB7]  }
0x2f: {  	lr =	sadd.s32 s0, s3;
	s0 =	sld [smem:$0x3FAE]  }
0x30: {  	s3 =	sld [smem:$0x3FB1]  }
0x31: {  	[smem:$0x3FBA] =	sst s10  }
0x32: {  	s10 =	sld [smem:$0x3FB8];
	_ =	sdelay $0x3  }
0x33: {  	p0 =	seq.s32 s10, $0x1;
	s10 =	sld [smem:$0x3FBA];
	_ =	sdelay $0x3  }
0x34: {  	[smem:$0x3FBA] =	sst s10  }
0x35: {  	s10 =	sld [smem:$0x3FB9];
	_ =	sdelay $0x3  }
0x36: {  	p1 =	seq.s32 s10, $0x1;
	s10 =	sld [smem:$0x3FBA];
	_ =	sdelay $0x3  }
0x37: {  	[smem:$0x3FBA] =	sst s10  }
0x38: {  	s10 =	sld [smem:$0x3FBB]  }
0x39: {  	_ = 	snop;
	(pc) =	sbr.ind lr, $3  }
0x3a: {  	_ = 	snop  }
0x3b: {  	_ = 	snop  }
0x3c: {  	p2 =	seq.s32 s10, $0x1;
	s10 =	sld [smem:$0x3FBA]  }
0x3d: {  	_ =	shalt  }
0x3e: {  	_ =	shalt  }
0x3f: {  	_ =	shalt  }
0x40: {  	_ =	shalt  }
0x41: {  	_ =	shalt  }
0x42: {  	_ =	shalt  }
0x43: {  	_ =	shalt  }
0x44: {  	_ =	shalt  }
0x45: {  	_ =	shalt  }
0x46: {  	_ =	shalt  }
0x47: {  	_ =	shalt  }
0x48: {  	_ =	shalt  }
0x49: {  	_ =	shalt  }
0x4a: {  	_ =	shalt  }
0x4b: {  	_ =	shalt  }
0x4c: {  	_ =	shalt  }
0x4d: {  	_ =	shalt  }
0x4e: {  	_ =	shalt  }
0x4f: {  	_ =	shalt  }
0x50: {  	_ =	shalt  }
0x51: {  	_ =	shalt  }
0x52: {  	_ =	shalt  }
0x53: {  	_ =	shalt  }
0x54: {  	_ =	shalt  }
0x55: {  	_ =	shalt  }
0x56: {  	_ =	shalt  }
0x57: {  	_ =	shalt  }
0x58: {  	_ =	shalt  }
0x59: {  	_ =	shalt  }
0x5a: {  	_ =	shalt  }
0x5b: {  	_ =	shalt  }
0x5c: {  	_ =	shalt  }
0x5d: {  	_ =	shalt  }
0x5e: {  	_ =	shalt  }
0x5f: {  	_ =	shalt  }
0x60: {  	_ =	shalt  }
0x61: {  	_ =	shalt  }
0x62: {  	_ =	shalt  }
0x63: {  	_ =	shalt  }
0x64: {  	_ =	shalt  }
0x65: {  	_ =	shalt  }
0x66: {  	_ =	shalt  }
0x67: {  	_ =	shalt  }
0x68: {  	_ =	shalt  }
0x69: {  	_ =	shalt  }
0x6a: {  	_ =	shalt  }
0x6b: {  	_ =	shalt  }
0x6c: {  	_ =	shalt  }
0x6d: {  	_ =	shalt  }
0x6e: {  	_ =	shalt  }
0x6f: {  	_ =	shalt  }
0x70: {  	_ =	shalt  }
0x71: {  	_ =	shalt  }
0x72: {  	_ =	shalt  }
0x73: {  	_ =	shalt  }
0x74: {  	_ =	shalt  }
0x75: {  	_ =	shalt  }
0x76: {  	_ =	shalt  }
0x77: {  	_ =	shalt  }
0x78: {  	_ =	shalt  }
0x79: {  	_ =	shalt  }
0x7a: {  	_ =	shalt  }
0x7b: {  	_ =	shalt  }
0x7c: {  	_ =	shalt  }
0x7d: {  	_ =	shalt  }
0x7e: {  	_ =	shalt  }
0x7f: {  	_ =	shalt  }
0x80: {  	_ =	shalt  }
0x81: {  	_ =	shalt  }
0x82: {  	_ =	shalt  }
0x83: {  	_ =	shalt  }
0x84: {  	_ =	shalt  }
0x85: {  	_ =	shalt  }
0x86: {  	_ =	shalt  }
0x87: {  	_ =	shalt  }
.Lfunc_end0:
.L_simem_size_0:
called_computation_lowered:
.L_overlay_start_0:
0x88: {  	s2 =	sld [smem:$0x3FD9]  }
0x89: {  	s3 =	sld [smem:$0x3FFE];
	_ =	sdelay $0x1  }
0x8a: {  	s1 =	srdreg.scid  }
0x8b: {  	s0 =	sand.u32 $0x1, s1  }
0x8c: {  	s18 =	sshll.u32 s0, $0xA;
	s2 =	sadd.s32 s3, s2  }
0x8d: {  	s2 =	sadd.s32 s2, s18  }
0x8e: {  	[smem:$0x3FC6] =	sst s2  }
0x8f: {  	_ = 	snop  }
0x90: {  	s2 =	sld [smem:$0x3FC9]  }
0x91: {  	s19 =	sld [smem:$0x3FC8]  }
0x92: {  	s4 =	sld [smem:$0x3FD0];
	(tm) =	ssettm $0x1  }
0x93: {  	s5 =	sld [smem:$0x3FFB];
	_ =	sdelay $0x3  }
0x94: {  	_ =	strace s5  }
0x95: {  	s5 =	sld [smem:$0x3FFC];
	_ =	sdelay $0x3  }
0x96: {  	_ =	strace s5  }
0x97: {  	s5 =	sld [smem:$0x3FFD];
	_ =	sdelay $0x3  }
0x98: {  	_ =	strace s5  }
0x99: {  	_ =	strace $0x8FFFFFFF  }
0x9a: {  	s20 =	sld [smem:$0x3FDB];
	_ =	sdelay $0x1  }
0x9b: {  	s6 =	simm.s32 $_scs_section_size  }
0x9c: {  	s7 =	simm.s32 $_size__tile_overlayer_lowered;
	s8 =	simm.s32 $_tile_overlayer_lowered  }
0x9d: {  	s23 =	simm.s32 $0x1BFF;
	s22 =	sshll.u32 s8, $0x1;
	s5 =	sadd.s32 s6, s20  }
0x9e: {  	s9 =	simm.s32 $0x0;
	s21 =	sshll.u32 s7, $0x1;
	s7 =	sadd.s32 s22, s5  }
0x9f: {  	[timem:s9], [sflag:s23] =	dma.local [hbm:s7], s21  }
0xa0: {  	_ =	swait.ge [sflag:s23], s21  }
0xa1: {  	s6 =	ssub.s32 $0x0, s21;
	[sflag:s23] =	ssyncset.done $0x0  }
0xa2: {  	[sflag:s23] =	ssyncadd.s32 s6;
	_ =	sdelay $0x1  }
0xa3: {  	s24 =	simm.s32 $0x1B8B  }
0xa4: {  	_ =	swait.ge [sflag:s24], $0x1  }
0xa5: {  	[sflag:s24] =	ssyncset.done $0x0  }
0xa6: {  	s25 =	simm.s32 $0x1B8E;
	[sflag:s24] =	ssyncadd.s32 $0xFFFFFFFF  }
0xa7: {  	s26 =	simm.s32 $execute0_lowered;
	[smem:$0x3FD2] =	sst s25  }
0xa8: {  	s6 =	sshll.u32 s26, $0x1;
	_ =	strace $0x80000046;
	[dreg:$0x1] =	wrdreg $0xFFFFFFFF  }
0xa9: {  	s28 =	simm.s32 $_size_execute0_lowered;
	s5 =	sadd.s32 s5, s6;
	[dreg:$0x0] =	wrdreg $0x0  }
0xaa: {  	s6 =	sshll.u32 s28, $0x1;
	[dreg:$0x2] =	wrdreg s5  }
0xab: {  	[dreg:$0x3] =	wrdreg s6  }
0xac: {  	[dreg:$0x4] =	wrdreg $0xC0  }
0xad: {  	_ =	task [dreg:s9], $0x5FFFF  }
0xae: {  	[dreg:$0x1] =	wrdreg $0xFFFFFFFF  }
0xaf: {  	[dreg:$0x0] =	wrdreg $0x60  }
0xb0: {  	[dreg:$0x2] =	wrdreg s2  }
0xb1: {  	[dreg:$0x3] =	wrdreg s19  }
0xb2: {  	[dreg:$0x4] =	wrdreg s4  }
0xb3: {  	[dreg:$0x5] =	wrdreg $0x9  }
0xb4: {  	_ =	task.clear_ibuf [dreg:s9], $0x6FFFF;
	_ =	strace $0x90000046  }
0xb5: {  	s29 =	simm.s32 $0x9;
	_ =	strace $0x80000048  }
0xb6: {  	_ =	swait.ge [sflag:s29], $0x1  }
0xb7: {  	[sflag:s29] =	ssyncadd.s32 $0xFFFFFFFF  }
0xb8: {  	_ =	strace $0x90000048  }
0xb9: {  	_ =	sfence  }
0xba: {  	s30 =	sld [smem:$0x0];
	_ =	sdelay $0x2  }
0xbb: {  	s31 =	sshll.u32 s1, $0xD;
	s1 =	sshrl.u32 s1, $0x2  }
0xbc: {  	s3 =	sand.u32 $0x4000, s31;
	s1 =	sadd.s32 s1, s30  }
0xbd: {  	s0 =	sor.u32 s3, s0;
	s1 =	sshll.u32 s1, $0x11  }
0xbe: {  	s0 =	sor.u32 s1, s0  }
0xbf: {  	s0 =	sadd.s32 $0x8F2B, s0  }
0xc0: {  	[sflag:s0] =	ssyncadd.remote.s32 $0x1  }
0xc1: {  	_ =	sfence.sel $0xFFFF  }
0xc2: {  	[dreg:$0x0] =	wrdreg $0xFFFFFFFF;
	(pc) =	sbr.abs _section_cstart, $3  }
0xc3: {  	[dreg:$0x1] =	wrdreg $0xFFFFFFFF  }
0xc4: {  	_ =	task.clear_ibuf [dreg:s9], $0x2FFFF;
	_ =	strace $0x9FFFFFFF  }
0xc5: {  	(tm) =	ssettm $0x7FFFFFFF  }
tec
execute0_lowered:
.L_overlay_start_1:
0x0: {  	(tag) =	ssettag $0x1  }
0x1: {  	s6 =	rddreg [dreg:$0x0]  }
0x2: {  	s1 =	srdreg.scid;
	s2 =	rddreg [dreg:$0x1]  }
0x3: {  	s0 =	stileid.u32;
	s3 =	rddreg [dreg:$0x2];
	s4 =	simm.s32 $0x0  }
0x4: {  	s13 =	simm.s32 $0xD900;
	s14 =	simm.s32 $0x11900;
	s8 =	smul.u32 $0x32000, s0  }
0x5: {  	s15 =	simm.s32 $0x2;
	s5 =	sand.u32 $0x1, s1;
	s9 =	smul.u32 $0x190000, s0  }
0x6: {  	s16 =	simm.s32 $0x0;
	s26 =	sshll.u32 s0, $0x1;
	s11 =	smul.u32 $0xC8000, s5  }
0x7: {  	s1 =	sor.u32 s5, s26;
	s10 =	ssub.s32 $0x2, s5;
	s5 =	smul.u32 $0x19000, s5  }
0x8: {  	[smem:$0x7FF] =	sst s4;
	s7 =	smul.u32 $0x1900, s1;
	s12 =	sshrl.u32 s10, $0x1  }
0x9: {  	s1 =	rddreg [dreg:$0x3];
	_ =	strace $0x80000047;
	s10 =	ssub.s32 s10, s12  }
0xa: {  	s9 =	sadd.s32 s11, s9;
	s5 =	sadd.s32 s5, s8;
	s11 =	simm.s32 $0x9900  }
0xb: {  	s12 =	simm.s32 $0x1;
	s7 =	sshrl.u32 s7, $0x3;
	s28 =	sadd.s32 $0x10000, s9  }
0xc: {  	[dreg:$0x4] =	wrdreg s5;
	s30 =	sadd.s32 $0xC000, s9;
	s9 =	sadd.s32 $0x8000, s9  }
0xd: {  	s29 =	sshrl.u32 s28, $0x3;
	s8 =	sshrl.u32 s30, $0x3;
	s5 =	sadd.s32 s6, s7  }
0xe: {  	s31 =	sshrl.u32 s9, $0x3;
	s6 =	smax.u32 s10, $0x1;
	[dreg:$0x7] =	wrdreg s29  }
0xf: {  	s7 =	simm.s32 $0x3;
	s9 =	simm.s32 $0x1900;
	[dreg:$0x6] =	wrdreg s8  }
0x10: {  	s10 =	simm.s32 $0x5900;
	[dreg:$0x5] =	wrdreg s31;
	s8 =	simm.s32 $0x80  }
.LBB2_1:
0x11: {  	[tilespmem:s4], [sflag:$0x3] =	stream.linear.gather [hbm4b:s5+s4], $0x1900, $0x38;
	[tilespmem:$0x15900] =	vst v63  }
0x12: {  	_ =	swait.ge [sflag:s7], $0x1900  }
0x13: {  	p0 =	por $0x1, $0x1;
	[sflag:s7] =	ssyncset.done $0x0  }
0x14: {  	p0 =	por p0, p0;
	[sflag:s7] =	ssyncadd.s32 $0xFFFFE700  }
0x15: {  	[tilespmem:s9], [sflag:$0x1] =	stream.indirect.gather [hbm4b:s2+s8], $0x80, s4, s8, $0xb8;
	[tilespmem:$0x15900] =	vst v63  }
0x16: {  	s17 =	simm.s32 @!p0 $0x2  }
0x17: {  	[tilespmem:s10], [sflag:$0x1] =	stream.indirect.gather [hbm4b:s2+s8], $0x80, s8, s8, $0xb8;
	[tilespmem:$0x15900] =	vst v63  }
0x18: {  	_ =	swait.ge @!p0 [sflag:s17], $0x4000  }
0x19: {  	[sflag:s17] =	ssyncset.done @!p0 $0x0  }
0x1a: {  	s26 =	simm.s32 $0x100;
	[sflag:s17] =	ssyncadd.s32 @!p0 $0xFFFFC000  }
0x1b: {  	[tilespmem:s11], [sflag:$0x1] =	stream.indirect.gather [hbm4b:s2+s8], $0x80, s26, s8, $0xb8;
	[tilespmem:$0x15900] =	vst v63  }
0x1c: {  	_ =	swait.ge [sflag:s12], $0x4000  }
0x1d: {  	p0 =	por $0x1, $0x1;
	s28 =	rddreg [dreg:$0x4];
	[sflag:s12] =	ssyncset.done $0x0  }
0x1e: {  	s18 =	simm.s32 @!p0 $0x2;
	[sflag:s12] =	ssyncadd.s32 $0xFFFFC000;
	s17 =	sadd.s32 s3, s28  }
0x1f: {  	[hbm4b:s17+s4] =	stream.linear.scatter [tilespmem:s9], [sflag:$0x2], $0x4000, $0x38;
	[tilespmem:$0x15900] =	vst v63  }
0x20: {  	_ =	swait.ge @!p0 [sflag:s18], $0x4000  }
0x21: {  	[sflag:s18] =	ssyncset.done @!p0 $0x0  }
0x22: {  	s19 =	simm.s32 $0x180;
	[sflag:s18] =	ssyncadd.s32 @!p0 $0xFFFFC000  }
0x23: {  	[tilespmem:s13], [sflag:$0x1] =	stream.indirect.gather [hbm4b:s2+s8], $0x80, s19, s8, $0xb8;
	[tilespmem:$0x15900] =	vst v63  }
0x24: {  	_ =	swait.ge [sflag:s12], $0x4000  }
0x25: {  	p0 =	por $0x1, $0x1;
	[sflag:s12] =	ssyncset.done $0x0  }
0x26: {  	s17 =	sadd.s32 $0x800, s17;
	s18 =	simm.s32 @!p0 $0x2;
	[sflag:s12] =	ssyncadd.s32 $0xFFFFC000  }
0x27: {  	[hbm4b:s17+s4] =	stream.linear.scatter [tilespmem:s10], [sflag:$0x2], $0x4000, $0x38;
	[tilespmem:$0x15900] =	vst v63  }
0x28: {  	_ =	swait.ge @!p0 [sflag:s18], $0x4000  }
0x29: {  	[sflag:s18] =	ssyncset.done @!p0 $0x0  }
0x2a: {  	s29 =	simm.s32 $0x200;
	[sflag:s18] =	ssyncadd.s32 @!p0 $0xFFFFC000  }
0x2b: {  	[tilespmem:s14], [sflag:$0x1] =	stream.indirect.gather [hbm4b:s2+s8], $0x80, s29, s8, $0xb8;
	[tilespmem:$0x15900] =	vst v63  }
0x2c: {  	_ =	swait.ge [sflag:s12], $0x4000  }
0x2d: {  	p0 =	por $0x0, $0x0;
	s30 =	rddreg [dreg:$0x5];
	[sflag:s12] =	ssyncset.done $0x0  }
0x2e: {  	s19 =	simm.s32 @!p0 $0x2;
	[sflag:s12] =	ssyncadd.s32 $0xFFFFC000;
	s17 =	sadd.s32 s3, s30  }
0x2f: {  	[hbm4b:s17+s4] =	stream.linear.scatter [tilespmem:s11], [sflag:$0x2], $0x4000, $0x38;
	[tilespmem:$0x15900] =	vst v63  }
0x30: {  	_ =	swait.ge @!p0 [sflag:s19], $0x4000  }
0x31: {  	s21 =	simm.s32 @!p0 $0x80;
	[sflag:s19] =	ssyncset.done @!p0 $0x0  }
0x32: {  	s18 =	simm.s32 @!p0 $0x1900;
	s17 =	simm.s32 @!p0 $0x280;
	[sflag:s19] =	ssyncadd.s32 @!p0 $0xFFFFC000  }
0x33: {  	[tilespmem:s18], [sflag:$0x1] =	stream.indirect.gather @!p0 [hbm4b:s2+s21], $0x80, s17, s21, $0xb8;
	[tilespmem:$0x15900] =	vst v63  }
0x34: {  	_ =	swait.ge [sflag:s12], $0x4000  }
0x35: {  	s31 =	rddreg [dreg:$0x6];
	[sflag:s12] =	ssyncset.done $0x0  }
0x36: {  	[sflag:s12] =	ssyncadd.s32 $0xFFFFC000;
	s17 =	sadd.s32 s3, s31  }
0x37: {  	[hbm4b:s17+s4] =	stream.linear.scatter [tilespmem:s13], [sflag:$0x2], $0x4000, $0x38;
	[tilespmem:$0x15900] =	vst v63  }
0x38: {  	s20 =	simm.s32 $0x2;
	p1 =	por $0x0, $0x0;
	_ =	swait.ge @!p0 [sflag:s19], $0x4000  }
0x39: {  	s23 =	smov.u32 s3;
	s22 =	simm.s32 @!p0 $0x5900;
	[sflag:s19] =	ssyncset.done @!p0 $0x0  }
0x3a: {  	s18 =	simm.s32 $0xA00;
	s17 =	simm.s32 @!p0 $0x300;
	[sflag:s19] =	ssyncadd.s32 @!p0 $0xFFFFC000  }
0x3b: {  	[tilespmem:s22], [sflag:$0x1] =	stream.indirect.gather @!p0 [hbm4b:s2+s21], $0x80, s17, s21, $0xb8;
	[tilespmem:$0x15900] =	vst v63  }
0x3c: {  	s19 =	simm.s32 $0x4;
	s22 =	simm.s32 $0x1400;
	_ =	swait.ge [sflag:s12], $0x4000  }
0x3d: {  	p0 =	por p1, p1;
	s17 =	sadd.s32 $0x2800, s3;
	[sflag:s12] =	ssyncset.done $0x0  }
0x3e: {  	s21 =	simm.s32 $0x2;
	s24 =	rddreg [dreg:$0x7];
	[sflag:s12] =	ssyncadd.s32 $0xFFFFC000  }
.LBB2_2:
0x3f: {  	s25 =	simm.s32 @!p0 $0x2;
	s26 =	sadd.s32 s23, s24  }
0x40: {  	[hbm4b:s26+s4] =	stream.linear.scatter [tilespmem:s14], [sflag:$0x2], $0x4000, $0x38;
	[tilespmem:$0x15900] =	vst v63  }
0x41: {  	_ =	swait.ge @!p0 [sflag:s25], $0x4000  }
0x42: {  	s20 =	sadd.s32 $0x5, s20;
	s28 =	sshra.s32 s18, $0x2;
	[sflag:s25] =	ssyncset.done @!p0 $0x0  }
0x43: {  	p2 =	sgt.u32 s20, $0x2C;
	s30 =	sadd.s32 $0x100, s28;
	[sflag:s25] =	ssyncadd.s32 @!p0 $0xFFFFC000  }
0x44: {  	[tilespmem:s11], [sflag:$0x1] =	stream.indirect.gather [hbm4b:s2+s8], $0x80, s30, s8, $0xb8;
	[tilespmem:$0x15900] =	vst v63  }
0x45: {  	s29 =	sadd.s32 $0x1, s21;
	p0 =	por p2, p2;
	_ =	swait.ge [sflag:s12], $0x4000  }
0x46: {  	p2 =	sgt.u32 s29, $0x2C;
	s31 =	rddreg [dreg:$0x4];
	[sflag:s12] =	ssyncset.done $0x0  }
0x47: {  	s29 =	simm.s32 @!p2 $0x2;
	[sflag:s12] =	ssyncadd.s32 $0xFFFFC000;
	s25 =	sadd.s32 s17, s31  }
0x48: {  	[hbm4b:s25+s4] =	stream.linear.scatter [tilespmem:s9], [sflag:$0x2], $0x4000, $0x38;
	[tilespmem:$0x15900] =	vst v63  }
0x49: {  	_ =	swait.ge @!p2 [sflag:s29], $0x4000  }
0x4a: {  	[sflag:s29] =	ssyncset.done @!p2 $0x0  }
0x4b: {  	s30 =	sadd.s32 $0x180, s28;
	[sflag:s29] =	ssyncadd.s32 @!p2 $0xFFFFC000  }
0x4c: {  	[tilespmem:s13], [sflag:$0x1] =	stream.indirect.gather [hbm4b:s2+s8], $0x80, s30, s8, $0xb8;
	[tilespmem:$0x15900] =	vst v63  }
0x4d: {  	_ =	swait.ge [sflag:s12], $0x4000  }
0x4e: {  	p2 =	sgt.u32 s19, $0x2C;
	[sflag:s12] =	ssyncset.done $0x0  }
0x4f: {  	s25 =	sadd.s32 $0x800, s25;
	s29 =	simm.s32 @!p2 $0x2;
	[sflag:s12] =	ssyncadd.s32 $0xFFFFC000  }
0x50: {  	[hbm4b:s25+s4] =	stream.linear.scatter [tilespmem:s10], [sflag:$0x2], $0x4000, $0x38;
	[tilespmem:$0x15900] =	vst v63  }
0x51: {  	_ =	swait.ge @!p2 [sflag:s29], $0x4000  }
0x52: {  	[sflag:s29] =	ssyncset.done @!p2 $0x0  }
0x53: {  	s26 =	sadd.s32 $0x2, s20;
	s28 =	sadd.s32 $0x200, s28;
	[sflag:s29] =	ssyncadd.s32 @!p2 $0xFFFFC000  }
0x54: {  	[tilespmem:s14], [sflag:$0x1] =	stream.indirect.gather [hbm4b:s2+s8], $0x80, s28, s8, $0xb8;
	[tilespmem:$0x15900] =	vst v63  }
0x55: {  	s19 =	smov.u32 s26;
	_ =	swait.ge [sflag:s12], $0x4000  }
0x56: {  	p2 =	seq.s32 s18, $0x5A00;
	s30 =	rddreg [dreg:$0x5];
	[sflag:s12] =	ssyncset.done $0x0  }
0x57: {  	s26 =	simm.s32 @!p2 $0x2;
	[sflag:s12] =	ssyncadd.s32 $0xFFFFC000;
	s25 =	sadd.s32 s17, s30  }
0x58: {  	[hbm4b:s25+s4] =	stream.linear.scatter [tilespmem:s11], [sflag:$0x2], $0x4000, $0x38;
	[tilespmem:$0x15900] =	vst v63  }
0x59: {  	_ =	swait.ge @!p2 [sflag:s26], $0x4000  }
0x5a: {  	s18 =	sshra.s32 @!p2 s18, $0x2;
	s29 =	simm.s32 @!p2 $0x80;
	[sflag:s26] =	ssyncset.done @!p2 $0x0  }
0x5b: {  	s30 =	simm.s32 @!p2 $0x1900;
	s25 =	sadd.s32 @!p2 $0x280, s18;
	[sflag:s26] =	ssyncadd.s32 @!p2 $0xFFFFC000  }
0x5c: {  	[tilespmem:s30], [sflag:$0x1] =	stream.indirect.gather @!p2 [hbm4b:s2+s29], $0x80, s25, s29, $0xb8;
	[tilespmem:$0x15900] =	vst v63  }
0x5d: {  	s24 =	smov.u32 s22;
	_ =	swait.ge [sflag:s12], $0x4000  }
0x5e: {  	s28 =	sadd.s32 @!p2 $0x300, s18;
	s31 =	rddreg [dreg:$0x6];
	[sflag:s12] =	ssyncset.done $0x0  }
0x5f: {  	s18 =	smov.u32 s24;
	[sflag:s12] =	ssyncadd.s32 $0xFFFFC000;
	s24 =	sadd.s32 s17, s31  }
0x60: {  	[hbm4b:s24+s4] =	stream.linear.scatter [tilespmem:s13], [sflag:$0x2], $0x4000, $0x38;
	[tilespmem:$0x15900] =	vst v63  }
0x61: {  	s22 =	sadd.s32 $0xA00, s22;
	_ =	swait.ge @!p2 [sflag:s26], $0x4000  }
0x62: {  	p1 =	sne.s32 s22, $0x6400;
	[sflag:s26] =	ssyncset.done @!p2 $0x0  }
.Ltmp0:
0x63: {  	s24 =	simm.s32 @!p2 $0x5900;
	[sflag:s26] =	ssyncadd.s32 @!p2 $0xFFFFC000;
	(pc) =	sbr.rel @p1 .LBB2_2-.Ltmp0, $4  }
0x64: {  	[tilespmem:s24], [sflag:$0x1] =	stream.indirect.gather @!p2 [hbm4b:s2+s29], $0x80, s28, s29, $0xb8;
	[tilespmem:$0x15900] =	vst v63  }
0x65: {  	_ =	swait.ge [sflag:s12], $0x4000  }
0x66: {  	s23 =	smov.u32 s17;
	s21 =	smov.u32 s20;
	[sflag:s12] =	ssyncset.done $0x0  }
0x67: {  	s17 =	sadd.s32 $0x2800, s17;
	s24 =	rddreg [dreg:$0x7];
	[sflag:s12] =	ssyncadd.s32 $0xFFFFC000  }
0x68: {  	s20 =	simm.s32 @!p0 $0x2;
	s22 =	sadd.s32 s23, s24  }
0x69: {  	[hbm4b:s22+s4] =	stream.linear.scatter [tilespmem:s14], [sflag:$0x2], $0x4000, $0x38;
	[tilespmem:$0x15900] =	vst v63  }
0x6a: {  	_ =	swait.ge @!p0 [sflag:s20], $0x4000  }
0x6b: {  	s30 =	sshra.s32 s18, $0x2;
	[sflag:s20] =	ssyncset.done @!p0 $0x0  }
0x6c: {  	s31 =	sadd.s32 $0x100, s30;
	[sflag:s20] =	ssyncadd.s32 @!p0 $0xFFFFC000  }
0x6d: {  	[tilespmem:s11], [sflag:$0x1] =	stream.indirect.gather [hbm4b:s2+s8], $0x80, s31, s8, $0xb8;
	[tilespmem:$0x15900] =	vst v63  }
0x6e: {  	s21 =	sadd.s32 $0x1, s21;
	_ =	swait.ge [sflag:s12], $0x4000  }
0x6f: {  	p0 =	sgt.u32 s21, $0x2C;
	s23 =	rddreg [dreg:$0x4];
	[sflag:s12] =	ssyncset.done $0x0  }
0x70: {  	s21 =	simm.s32 @!p0 $0x2;
	[sflag:s12] =	ssyncadd.s32 $0xFFFFC000;
	s20 =	sadd.s32 s17, s23  }
0x71: {  	[hbm4b:s20+s4] =	stream.linear.scatter [tilespmem:s9], [sflag:$0x2], $0x4000, $0x38;
	[tilespmem:$0x15900] =	vst v63  }
0x72: {  	_ =	swait.ge @!p0 [sflag:s21], $0x4000  }
0x73: {  	[sflag:s21] =	ssyncset.done @!p0 $0x0  }
0x74: {  	s24 =	sadd.s32 $0x180, s30;
	[sflag:s21] =	ssyncadd.s32 @!p0 $0xFFFFC000  }
0x75: {  	[tilespmem:s13], [sflag:$0x1] =	stream.indirect.gather [hbm4b:s2+s8], $0x80, s24, s8, $0xb8;
	[tilespmem:$0x15900] =	vst v63  }
0x76: {  	_ =	swait.ge [sflag:s12], $0x4000  }
0x77: {  	p0 =	sgt.u32 s19, $0x2C;
	[sflag:s12] =	ssyncset.done $0x0  }
0x78: {  	s25 =	sadd.s32 $0x800, s20;
	s20 =	simm.s32 @!p0 $0x2;
	[sflag:s12] =	ssyncadd.s32 $0xFFFFC000  }
0x79: {  	[hbm4b:s25+s4] =	stream.linear.scatter [tilespmem:s10], [sflag:$0x2], $0x4000, $0x38;
	[tilespmem:$0x15900] =	vst v63  }
0x7a: {  	_ =	swait.ge @!p0 [sflag:s20], $0x4000  }
0x7b: {  	[sflag:s20] =	ssyncset.done @!p0 $0x0  }
0x7c: {  	s26 =	sadd.s32 $0x200, s30;
	[sflag:s20] =	ssyncadd.s32 @!p0 $0xFFFFC000  }
0x7d: {  	[tilespmem:s14], [sflag:$0x1] =	stream.indirect.gather [hbm4b:s2+s8], $0x80, s26, s8, $0xb8;
	[tilespmem:$0x15900] =	vst v63  }
0x7e: {  	_ =	swait.ge [sflag:s12], $0x4000  }
0x7f: {  	p0 =	seq.s32 s18, $0x5A00;
	s28 =	rddreg [dreg:$0x5];
	[sflag:s12] =	ssyncset.done $0x0  }
0x80: {  	s20 =	simm.s32 @!p0 $0x2;
	[sflag:s12] =	ssyncadd.s32 $0xFFFFC000;
	s19 =	sadd.s32 s17, s28  }
0x81: {  	[hbm4b:s19+s4] =	stream.linear.scatter [tilespmem:s11], [sflag:$0x2], $0x4000, $0x38;
	[tilespmem:$0x15900] =	vst v63  }
0x82: {  	_ =	swait.ge @!p0 [sflag:s20], $0x4000  }
0x83: {  	s18 =	sshra.s32 @!p0 s18, $0x2;
	s21 =	simm.s32 @!p0 $0x80;
	[sflag:s20] =	ssyncset.done @!p0 $0x0  }
0x84: {  	s22 =	simm.s32 @!p0 $0x1900;
	s19 =	sadd.s32 @!p0 $0x280, s18;
	[sflag:s20] =	ssyncadd.s32 @!p0 $0xFFFFC000  }
0x85: {  	[tilespmem:s22], [sflag:$0x1] =	stream.indirect.gather @!p0 [hbm4b:s2+s21], $0x80, s19, s21, $0xb8;
	[tilespmem:$0x15900] =	vst v63  }
0x86: {  	_ =	swait.ge [sflag:s12], $0x4000  }
0x87: {  	s29 =	rddreg [dreg:$0x6];
	[sflag:s12] =	ssyncset.done $0x0  }
0x88: {  	[sflag:s12] =	ssyncadd.s32 $0xFFFFC000;
	s19 =	sadd.s32 s17, s29  }
0x89: {  	[hbm4b:s19+s4] =	stream.linear.scatter [tilespmem:s13], [sflag:$0x2], $0x4000, $0x38;
	[tilespmem:$0x15900] =	vst v63  }
0x8a: {  	_ =	swait.ge @!p0 [sflag:s20], $0x4000  }
0x8b: {  	[sflag:s20] =	ssyncset.done @!p0 $0x0  }
0x8c: {  	s18 =	sadd.s32 @!p0 $0x300, s18;
	s19 =	simm.s32 @!p0 $0x5900;
	[sflag:s20] =	ssyncadd.s32 @!p0 $0xFFFFC000  }
0x8d: {  	[tilespmem:s19], [sflag:$0x1] =	stream.indirect.gather @!p0 [hbm4b:s2+s21], $0x80, s18, s21, $0xb8;
	[tilespmem:$0x15900] =	vst v63  }
0x8e: {  	_ =	swait.ge [sflag:s12], $0x4000  }
0x8f: {  	s30 =	rddreg [dreg:$0x7];
	[sflag:s12] =	ssyncset.done $0x0  }
0x90: {  	[sflag:s12] =	ssyncadd.s32 $0xFFFFC000;
	s31 =	sadd.s32 s17, s30  }
0x91: {  	[hbm4b:s31+s4] =	stream.linear.scatter [tilespmem:s14], [sflag:$0x2], $0x4000, $0x38;
	[tilespmem:$0x15900] =	vst v63  }
0x92: {  	_ =	swait.ge [sflag:s15], $0x4000  }
0x93: {  	[sflag:s15] =	ssyncset.done $0x0  }
0x94: {  	[sflag:s15] =	ssyncadd.s32 $0xFFFFC000  }
0x95: {  	_ =	swait.ge [sflag:s15], $0x4000  }
0x96: {  	[sflag:s15] =	ssyncset.done $0x0  }
0x97: {  	[sflag:s15] =	ssyncadd.s32 $0xFFFFC000  }
0x98: {  	_ =	swait.ge [sflag:s15], $0x4000  }
0x99: {  	[sflag:s15] =	ssyncset.done $0x0  }
0x9a: {  	s16 =	sadd.s32 $0x1, s16;
	[sflag:s15] =	ssyncadd.s32 $0xFFFFC000  }
0x9b: {  	p0 =	sne.s32 s16, s6;
	_ =	swait.ge [sflag:s15], $0x4000  }
.Ltmp1:
0x9c: {  	[sflag:s15] =	ssyncset.done $0x0;
	(pc) =	sbr.rel @p0 .LBB2_1-.Ltmp1, $4  }
0x9d: {  	[sflag:s15] =	ssyncadd.s32 $0xFFFFC000  }
0x9e: {  	_ =	swait.ge [sflag:s15], $0x4000  }
0x9f: {  	[sflag:s15] =	ssyncset.done $0x0  }
0xa0: {  	[sflag:s15] =	ssyncadd.s32 $0xFFFFC000  }
0xa1: {  	_ =	sfence.sel $0x180000  }
0xa2: {  	[bflag:$0x0] =	sbarrier.arrive $0xFFFF  }
0xa3: {  	p0 =	sne.s32 s0, $0x0;
	_ =	strace $0x90000047  }
0xa4: {  	s0 =	sadd.s32 @!p0 $0x100000, s1;
	[bflag:$0x2] =	sbarrier.arrive $0xFFFF  }
0xa5: {  	[sflag:s0] =	ssyncadd.tile.s32 @!p0 $0x1;
	_ =	shalt  }
.Lfunc_end2:
_tile_overlayer_lowered:
.L_overlay_start_2:
0xa6: {  	(tag) =	ssettag $0x2  }
0xa7: {  	s0 =	rddreg [dreg:$0x0];
	s2 =	stileid.u32  }
0xa8: {  	s1 =	rddreg [dreg:$0x1];
	p0 =	sne.s32 s2, $0x0  }
0xa9: {  	s3 =	rddreg [dreg:$0x2];
	[bflag:$0x3] =	sbarrier.arrive $0xFFFF;
	s2 =	simm.s32 @!p0 $0x1C03  }
0xaa: {  	[timem:s3], [sflag:s2] =	dma.local @!p0 [hbm:s0], s1  }
0xab: {  	s0 =	simm.s32 @!p0 $0x3  }
0xac: {  	_ =	swait.ge @!p0 [sflag:s0], s1  }
0xad: {  	s1 =	ssub.s32 @!p0 $0x0, s1;
	[sflag:s0] =	ssyncset.done @!p0 $0x0  }
0xae: {  	[sflag:s0] =	ssyncadd.s32 @!p0 s1  }
0xaf: {  	[bflag:$0x3] =	sbarrier.arrive $0xFFFF  }
0xb0: {  	_ =	shalt  }

</sc_bundles>
